<compile_context>
chip_gen: v7x
topology: tpu7x:2x2x1
jax: 0.10.2.dev20260603
libtpu: 0.0.44.dev20260713+nightly
codegen_flags: <defaults>
</compile_context>

<pallas_src>
import functools

import jax
import jax.numpy as jnp
from jax import lax
from jax.experimental import pallas as pl
from jax.experimental.pallas import tpu as pltpu
from jax.experimental.pallas import tpu_sc as plsc

N = 10000
E = 160000
D_IN, D_HID, D_OUT = 256, 128, 64
DA = 64

NC, NS = 2, 16
NW = NC * NS
CHUNK = 128
K = 40
ROWS2D = NW * K
EP = ROWS2D * CHUNK
ACC_ROWS = 10048
RPT = ACC_ROWS // NS
SPT = N // NS
NBUF = 4


@functools.lru_cache(maxsize=None)
def _get_mesh():
  return plsc.VectorSubcoreMesh(
      core_axis_name="c", subcore_axis_name="s", num_cores=NC, num_subcores=NS)


def _edge_loop(stage, acc, srcv, dstv, rows, sems, nbuf, k):
  for b in range(nbuf):
    pltpu.async_copy(stage.at[srcv.at[b]], rows.at[b], sems[b])

  def body(t, carry):
    for b in range(nbuf):
      g = t * nbuf + b
      pltpu.make_async_copy(stage.at[srcv.at[g]], rows.at[b], sems[b]).wait()
      pltpu.sync_copy(rows.at[b], acc.at[dstv.at[g]], add=True)

      @pl.when(g + nbuf < k)
      def _issue():
        pltpu.async_copy(stage.at[srcv.at[g + nbuf]], rows.at[b], sems[b])

    return carry

  lax.fori_loop(0, k // nbuf, body, 0)


@functools.lru_cache(maxsize=None)
def _make_agg_bycol():
  k = 2 * K

  @functools.partial(
      pl.kernel,
      out_type=jax.ShapeDtypeStruct((NC, ACC_ROWS, DA), jnp.float32),
      mesh=_get_mesh(),
      scratch_types=[
          pltpu.VMEM((k, CHUNK), jnp.int32),
          pltpu.VMEM((k, CHUNK), jnp.int32),
          pltpu.VMEM((2, CHUNK, DA), jnp.float32),
          pltpu.VMEM_SHARED((N, DA), jnp.float32),
          pltpu.VMEM_SHARED((ACC_ROWS, DA), jnp.float32),
      ] + [pltpu.SemaphoreType.DMA] * 4,
      compiler_params=pltpu.CompilerParams(use_tc_tiling_on_sc=False),
  )
  def agg(hsa_hbm, hsb_hbm, src_hbm, dst_hbm, zero_hbm, out_hbm, srcv, dstv,
          rows, stage, acc, *sems):
    cid = lax.axis_index("c")
    sid = lax.axis_index("s")
    pltpu.async_copy(src_hbm.at[pl.ds(sid * k, k)], srcv, sems[0])
    pltpu.async_copy(dst_hbm.at[pl.ds(sid * k, k)], dstv, sems[1])
    pltpu.async_copy(zero_hbm.at[pl.ds(sid * RPT, RPT)],
                     acc.at[pl.ds(sid * RPT, RPT)], sems[2])
    stg = stage.at[pl.ds(sid * SPT, SPT)]

    @pl.when(cid == 0)
    def _sa():
      pltpu.async_copy(hsa_hbm.at[pl.ds(sid * SPT, SPT)], stg, sems[3])

    @pl.when(cid == 1)
    def _sb():
      pltpu.async_copy(hsb_hbm.at[pl.ds(sid * SPT, SPT)], stg, sems[3])

    pltpu.make_async_copy(src_hbm.at[pl.ds(sid * k, k)], srcv,
                          sems[0]).wait()
    pltpu.make_async_copy(dst_hbm.at[pl.ds(sid * k, k)], dstv,
                          sems[1]).wait()
    pltpu.make_async_copy(zero_hbm.at[pl.ds(sid * RPT, RPT)],
                          acc.at[pl.ds(sid * RPT, RPT)], sems[2]).wait()
    pltpu.make_async_copy(hsa_hbm.at[pl.ds(sid * SPT, SPT)], stg,
                          sems[3]).wait()
    plsc.subcore_barrier()
    _edge_loop(stage, acc, srcv, dstv, rows, sems, 2, k)
    plsc.subcore_barrier()
    pltpu.sync_copy(acc.at[pl.ds(sid * RPT, RPT)],
                    out_hbm.at[cid, pl.ds(sid * RPT, RPT)])

  return agg


@functools.lru_cache(maxsize=None)
def _make_agg_byedge():

  @functools.partial(
      pl.kernel,
      out_type=jax.ShapeDtypeStruct((NC, ACC_ROWS, DA), jnp.float32),
      mesh=_get_mesh(),
      scratch_types=[
          pltpu.VMEM((K, CHUNK), jnp.int32),
          pltpu.VMEM((K, CHUNK), jnp.int32),
          pltpu.VMEM((NBUF, CHUNK, DA), jnp.float32),
          pltpu.VMEM_SHARED((N, DA), jnp.float32),
          pltpu.VMEM_SHARED((ACC_ROWS, DA), jnp.float32),
      ] + [pltpu.SemaphoreType.DMA] * NBUF,
      compiler_params=pltpu.CompilerParams(use_tc_tiling_on_sc=False),
  )
  def agg(hs_hbm, src_hbm, dst_hbm, zero_hbm, out_hbm, srcv, dstv, rows,
          stage, acc, *sems):
    cid = lax.axis_index("c")
    sid = lax.axis_index("s")
    wid = sid * NC + cid
    pltpu.async_copy(src_hbm.at[pl.ds(wid * K, K)], srcv, sems[0])
    pltpu.async_copy(dst_hbm.at[pl.ds(wid * K, K)], dstv, sems[1])
    pltpu.async_copy(zero_hbm.at[pl.ds(sid * RPT, RPT)],
                     acc.at[pl.ds(sid * RPT, RPT)], sems[2])
    pltpu.async_copy(hs_hbm.at[pl.ds(sid * SPT, SPT)],
                     stage.at[pl.ds(sid * SPT, SPT)], sems[3])
    pltpu.make_async_copy(src_hbm.at[pl.ds(wid * K, K)], srcv,
                          sems[0]).wait()
    pltpu.make_async_copy(dst_hbm.at[pl.ds(wid * K, K)], dstv,
                          sems[1]).wait()
    pltpu.make_async_copy(zero_hbm.at[pl.ds(sid * RPT, RPT)],
                          acc.at[pl.ds(sid * RPT, RPT)], sems[2]).wait()
    pltpu.make_async_copy(hs_hbm.at[pl.ds(sid * SPT, SPT)],
                          stage.at[pl.ds(sid * SPT, SPT)], sems[3]).wait()
    plsc.subcore_barrier()
    _edge_loop(stage, acc, srcv, dstv, rows, sems, NBUF, K)
    plsc.subcore_barrier()
    pltpu.sync_copy(acc.at[pl.ds(sid * RPT, RPT)],
                    out_hbm.at[cid, pl.ds(sid * RPT, RPT)])

  return agg


@functools.lru_cache(maxsize=None)
def _make_deg():

  @functools.partial(
      pl.kernel,
      out_type=jax.ShapeDtypeStruct((NC, ACC_ROWS, 8), jnp.float32),
      mesh=_get_mesh(),
      scratch_types=[
          pltpu.VMEM((K, CHUNK), jnp.int32),
          pltpu.VMEM((CHUNK, 8), jnp.float32),
          pltpu.VMEM_SHARED((ACC_ROWS, 8), jnp.float32),
      ],
      compiler_params=pltpu.CompilerParams(use_tc_tiling_on_sc=False),
  )
  def deg(dst_hbm, ones_hbm, zero_hbm, out_hbm, dstv, ones_v, acc):
    cid = lax.axis_index("c")
    sid = lax.axis_index("s")
    wid = sid * NC + cid
    pltpu.sync_copy(dst_hbm.at[pl.ds(wid * K, K)], dstv)
    pltpu.sync_copy(ones_hbm, ones_v)
    pltpu.sync_copy(zero_hbm.at[pl.ds(sid * RPT, RPT)],
                    acc.at[pl.ds(sid * RPT, RPT)])
    plsc.subcore_barrier()

    def body(g, carry):
      pltpu.sync_copy(ones_v, acc.at[dstv.at[g]], add=True)
      return carry

    lax.fori_loop(0, K, body, 0)
    plsc.subcore_barrier()
    pltpu.sync_copy(acc.at[pl.ds(sid * RPT, RPT)],
                    out_hbm.at[cid, pl.ds(sid * RPT, RPT)])

  return deg


BR = 2000
_GRID = (N // BR,)


def _dinv(p0_ref, p1_ref):
  deg = p0_ref[0, :, 0:1] + p1_ref[0, :, 0:1] + 1.0
  return lax.rsqrt(deg)


def _tc1_body(x_ref, w1_ref, p0_ref, p1_ref, hsa_ref, hsb_ref):
  h = jnp.dot(x_ref[...], w1_ref[...], preferred_element_type=jnp.float32)
  hs = h * _dinv(p0_ref, p1_ref)
  hsa_ref[...] = hs[:, :DA]
  hsb_ref[...] = hs[:, DA:]


def _tc2_body(qa_ref, qb_ref, hsa_ref, hsb_ref, p0_ref,
              p1_ref, b1_ref, w2_ref, out_ref):
  dinv = _dinv(p0_ref, p1_ref)
  za = (qa_ref[0] + hsa_ref[...])
  zb = (qb_ref[0] + hsb_ref[...])
  z = jnp.concatenate([za, zb], axis=1) * dinv + b1_ref[...]
  z = jnp.maximum(z, 0.0)
  h2 = jnp.dot(z, w2_ref[...], preferred_element_type=jnp.float32)
  out_ref[...] = h2 * dinv


def _tc3_body(r0_ref, r1_ref, hs2_ref, p0_ref, p1_ref, b2_ref, out_ref):
  dinv = _dinv(p0_ref, p1_ref)
  out_ref[...] = (r0_ref[0] + r1_ref[0] + hs2_ref[...]) * dinv + b2_ref[...]


def _pspec(minor):
  return [
      pl.BlockSpec((1, BR, minor), lambda i: (0, i, 0)),
      pl.BlockSpec((1, BR, minor), lambda i: (1, i, 0)),
  ]


def kernel(X, edge_index, W1, b1, W2, b2):
  ei = edge_index.astype(jnp.int32)
  src, dst = ei[0], ei[1]
  pad = EP - E
  srcp = jnp.concatenate([src, jnp.zeros((pad,), jnp.int32)])
  dstp = jnp.concatenate([dst, jnp.full((pad,), N, jnp.int32)])
  src2d = srcp.reshape(ROWS2D, CHUNK)
  dst2d = dstp.reshape(ROWS2D, CHUNK)

  ones8 = jnp.ones((CHUNK, 8), jnp.float32)
  z8 = jnp.zeros((ACC_ROWS, 8), jnp.float32)
  zo = jnp.zeros((ACC_ROWS, DA), jnp.float32)

  degp = _make_deg()(dst2d, ones8, z8)

  hs1a, hs1b = pl.pallas_call(
      _tc1_body,
      grid=_GRID,
      in_specs=[
          pl.BlockSpec((BR, D_IN), lambda i: (i, 0)),
          pl.BlockSpec((D_IN, D_HID), lambda i: (0, 0)),
      ] + _pspec(8),
      out_specs=[
          pl.BlockSpec((BR, DA), lambda i: (i, 0)),
          pl.BlockSpec((BR, DA), lambda i: (i, 0)),
      ],
      out_shape=[
          jax.ShapeDtypeStruct((N, DA), jnp.float32),
          jax.ShapeDtypeStruct((N, DA), jnp.float32),
      ],
  )(X, W1, degp, degp)

  qab = _make_agg_bycol()(hs1a, hs1b, src2d, dst2d, zo)

  hs2 = pl.pallas_call(
      _tc2_body,
      grid=_GRID,
      in_specs=_pspec(DA) + [
          pl.BlockSpec((BR, DA), lambda i: (i, 0)),
          pl.BlockSpec((BR, DA), lambda i: (i, 0)),
      ] + _pspec(8) + [
          pl.BlockSpec((1, D_HID), lambda i: (0, 0)),
          pl.BlockSpec((D_HID, D_OUT), lambda i: (0, 0)),
      ],
      out_specs=pl.BlockSpec((BR, D_OUT), lambda i: (i, 0)),
      out_shape=jax.ShapeDtypeStruct((N, D_OUT), jnp.float32),
  )(qab, qab, hs1a, hs1b, degp, degp, b1.reshape(1, D_HID), W2)

  r = _make_agg_byedge()(hs2, src2d, dst2d, zo)

  out = pl.pallas_call(
      _tc3_body,
      grid=_GRID,
      in_specs=_pspec(D_OUT) + [
          pl.BlockSpec((BR, D_OUT), lambda i: (i, 0)),
      ] + _pspec(8) + [
          pl.BlockSpec((1, D_OUT), lambda i: (0, 0)),
      ],
      out_specs=pl.BlockSpec((BR, D_OUT), lambda i: (i, 0)),
      out_shape=jax.ShapeDtypeStruct((N, D_OUT), jnp.float32),
  )(r, r, hs2, degp, degp, b2.reshape(1, D_OUT))

  return out

# --- scband reference (transcript-rebuilt; emitter-appended) ---
"""Pipeline reference for scband-gcn-34832184771213 (READ-ONLY COPY).

The authoritative reference and input builder live on the scoring server;
editing this copy changes nothing except your own understanding.
"""

import jax, jax.numpy as jnp
import numpy as np

N_NODES = 10000
N_EDGES = 160000
D_IN = 256
D_HID = 128
D_OUT = 64


def _gcn_conv(x, src, dst, norm, W, b, n):
    # GCNConv: linear transform then normalized scatter-add aggregation
    h = x @ W
    msg = h[src] * norm[:, None]
    out = jax.ops.segment_sum(msg, dst, num_segments=n)
    return out + b


def _sym_norm(edge_index, n):
    # add self loops + symmetric D^{-1/2} A D^{-1/2} normalization
    src = edge_index[0]
    dst = edge_index[1]
    loop = jnp.arange(n, dtype=src.dtype)
    src = jnp.concatenate([src, loop])
    dst = jnp.concatenate([dst, loop])
    ones = jnp.ones(src.shape[0], dtype=jnp.float32)
    deg = jax.ops.segment_sum(ones, dst, num_segments=n)
    dinv = jnp.where(deg > 0, 1.0 / jnp.sqrt(deg), 0.0)
    norm = dinv[src] * dinv[dst]
    return src, dst, norm


def setup_inputs(seed: int = 0) -> dict:
    key = jax.random.key(seed)
    k1, k2, k3, k4 = jax.random.split(key, 4)
    X = jax.random.normal(k1, (N_NODES, D_IN), dtype=jnp.float32)
    edge_index = jax.random.randint(k2, (2, N_EDGES), 0, N_NODES)
    W1 = jax.random.normal(k3, (D_IN, D_HID), dtype=jnp.float32) / np.sqrt(D_IN)
    b1 = jnp.zeros((D_HID,), dtype=jnp.float32)
    W2 = jax.random.normal(k4, (D_HID, D_OUT), dtype=jnp.float32) / np.sqrt(D_HID)
    b2 = jnp.zeros((D_OUT,), dtype=jnp.float32)
    return {"X": X, "edge_index": edge_index, "W1": W1, "b1": b1, "W2": W2, "b2": b2}


def reference(X, edge_index, W1, b1, W2, b2):
    n = X.shape[0]
    src, dst, norm = _sym_norm(edge_index, n)
    h = _gcn_conv(X, src, dst, norm, W1, b1, n)
    h = jax.nn.relu(h)
    # dropout p=0 -> identity
    out = _gcn_conv(h, src, dst, norm, W2, b2, n)
    return out

if __name__ == "__main__":
    import jax
    _d = setup_inputs()
    print(jax.jit(kernel)(*tuple(_d.values())))

</pallas_src>

<mosaic_0001>
#map = affine_map<(d0, d1) -> (0, 0)>
#map1 = affine_map<(d0, d1) -> (0, 0, 0)>
module attributes {stable_mosaic.version = 14 : i64} {
  func.func @deg(%arg0: i32, %arg1: i32, %arg2: memref<1280x128xi32, #tpu.memory_space<hbm>>, %arg3: memref<128x8xf32, #tpu.memory_space<hbm>>, %arg4: memref<10048x8xf32, #tpu.memory_space<hbm>>, %arg5: memref<2x10048x8xf32, #tpu.memory_space<hbm>>, %arg6: memref<40x128xi32, #tpu.memory_space<vmem>>, %arg7: memref<128x8xf32, #tpu.memory_space<vmem>>, %arg8: memref<10048x8xf32, #tpu.memory_space<vmem_shared>>) attributes {dimension_semantics = [#tpu.dimension_semantics<core_parallel>, #tpu.dimension_semantics<subcore_parallel>], iteration_bounds = array<i64: 2, 16>, scalar_prefetch = 0 : i64, scratch_operands = 3 : i64, tpu.core_type = #tpu.core_type<sc_vector_subcore>, window_params = [{transform_indices = #map}, {transform_indices = #map}, {transform_indices = #map}, {transform_indices = #map1}]} {
    %mul3A = arith.constant 2 : i32
    %mul3A_0 = arith.muli %arg1, %mul3A : i32
    %add3A = arith.addi %mul3A_0, %arg0 : i32
    %mul3A_1 = arith.constant 40 : i32
    %mul3A_2 = arith.muli %add3A, %mul3A_1 : i32
    "tpu.region"() ({
      %run_scoped3A = tpu.sem_alloc : memref<!tpu.dma_semaphore, #tpu.memory_space<semaphore_mem>>
      %dma_start3A = arith.constant 0 : i32
      %dma_start3A_17 = tpu.memref_slice %arg2[%mul3A_2, %dma_start3A] : memref<1280x128xi32, #tpu.memory_space<hbm>> -> memref<40x128xi32, #tpu.memory_space<hbm>>
      %dma_start3A_18 = arith.constant 0 : i32
      %dma_start3A_19 = tpu.memref_slice %arg2[%mul3A_2, %dma_start3A_18] : memref<1280x128xi32, #tpu.memory_space<hbm>> -> memref<40x128xi32, #tpu.memory_space<hbm>>
      tpu.enqueue_dma source(%dma_start3A_19 : memref<40x128xi32, #tpu.memory_space<hbm>>) target(%arg6 : memref<40x128xi32, #tpu.memory_space<vmem>>) target_semaphore(%run_scoped3A : memref<!tpu.dma_semaphore, #tpu.memory_space<semaphore_mem>>)
      %dma_wait3A = arith.constant 0 : i32
      %dma_wait3A_20 = tpu.memref_slice %arg2[%mul3A_2, %dma_wait3A] : memref<1280x128xi32, #tpu.memory_space<hbm>> -> memref<40x128xi32, #tpu.memory_space<hbm>>
      %dma_wait3A_21 = arith.constant 0 : i32
      %dma_wait3A_22 = tpu.memref_slice %arg2[%mul3A_2, %dma_wait3A_21] : memref<1280x128xi32, #tpu.memory_space<hbm>> -> memref<40x128xi32, #tpu.memory_space<hbm>>
      tpu.wait_dma2 semaphore(%run_scoped3A : memref<!tpu.dma_semaphore, #tpu.memory_space<semaphore_mem>>) src(%dma_wait3A_22 : memref<40x128xi32, #tpu.memory_space<hbm>>) dst(%arg6 : memref<40x128xi32, #tpu.memory_space<vmem>>)
      tpu.yield
    }) : () -> ()
    "tpu.region"() ({
      %run_scoped3A = tpu.sem_alloc : memref<!tpu.dma_semaphore, #tpu.memory_space<semaphore_mem>>
      tpu.enqueue_dma source(%arg3 : memref<128x8xf32, #tpu.memory_space<hbm>>) target(%arg7 : memref<128x8xf32, #tpu.memory_space<vmem>>) target_semaphore(%run_scoped3A : memref<!tpu.dma_semaphore, #tpu.memory_space<semaphore_mem>>)
      tpu.wait_dma2 semaphore(%run_scoped3A : memref<!tpu.dma_semaphore, #tpu.memory_space<semaphore_mem>>) src(%arg3 : memref<128x8xf32, #tpu.memory_space<hbm>>) dst(%arg7 : memref<128x8xf32, #tpu.memory_space<vmem>>)
      tpu.yield
    }) : () -> ()
    %mul3A_3 = arith.constant 628 : i32
    %mul3A_4 = arith.muli %arg1, %mul3A_3 : i32
    %mul3A_5 = arith.constant 628 : i32
    %mul3A_6 = arith.muli %arg1, %mul3A_5 : i32
    "tpu.region"() ({
      %run_scoped3A = tpu.sem_alloc : memref<!tpu.dma_semaphore, #tpu.memory_space<semaphore_mem>>
      %dma_start3A = arith.constant 0 : i32
      %dma_start3A_17 = tpu.memref_slice %arg8[%mul3A_6, %dma_start3A] : memref<10048x8xf32, #tpu.memory_space<vmem_shared>> -> memref<628x8xf32, #tpu.memory_space<vmem_shared>>
      %dma_start3A_18 = arith.constant 0 : i32
      %dma_start3A_19 = tpu.memref_slice %arg4[%mul3A_4, %dma_start3A_18] : memref<10048x8xf32, #tpu.memory_space<hbm>> -> memref<628x8xf32, #tpu.memory_space<hbm>>
      tpu.enqueue_dma source(%dma_start3A_19 : memref<628x8xf32, #tpu.memory_space<hbm>>) target(%dma_start3A_17 : memref<628x8xf32, #tpu.memory_space<vmem_shared>>) target_semaphore(%run_scoped3A : memref<!tpu.dma_semaphore, #tpu.memory_space<semaphore_mem>>)
      %dma_wait3A = arith.constant 0 : i32
      %dma_wait3A_20 = tpu.memref_slice %arg8[%mul3A_6, %dma_wait3A] : memref<10048x8xf32, #tpu.memory_space<vmem_shared>> -> memref<628x8xf32, #tpu.memory_space<vmem_shared>>
      %dma_wait3A_21 = arith.constant 0 : i32
      %dma_wait3A_22 = tpu.memref_slice %arg4[%mul3A_4, %dma_wait3A_21] : memref<10048x8xf32, #tpu.memory_space<hbm>> -> memref<628x8xf32, #tpu.memory_space<hbm>>
      tpu.wait_dma2 semaphore(%run_scoped3A : memref<!tpu.dma_semaphore, #tpu.memory_space<semaphore_mem>>) src(%dma_wait3A_22 : memref<628x8xf32, #tpu.memory_space<hbm>>) dst(%dma_wait3A_20 : memref<628x8xf32, #tpu.memory_space<vmem_shared>>)
      tpu.yield
    }) : () -> ()
    %barrier3A = arith.constant 0 : index
    tpu.barrier barrier_id(%barrier3A)
    %scan3A = arith.constant 0 : i32
    %scan3A_7 = arith.constant 0 : i32
    %scan3A_8 = arith.constant 40 : i32
    %scan3A_9 = arith.addi %scan3A_7, %scan3A_8 : i32
    %scan3A_10 = arith.constant 1 : i32
    scf.for %scan3A_17 = %scan3A_7 to %scan3A_9 step %scan3A_10  : i32 {
      "tpu.region"() ({
        %run_scoped3A = tpu.sem_alloc : memref<!tpu.dma_semaphore, #tpu.memory_space<semaphore_mem>>
        %dma_start3A = arith.constant 0 : i32
        %dma_start3A_18 = tpu.memref_slice %arg6[%scan3A_17, %dma_start3A] : memref<40x128xi32, #tpu.memory_space<vmem>> -> memref<1x128xi32, #tpu.memory_space<vmem>>
        %dma_start3A_19 = tpu.memref_squeeze %dma_start3A_18 : memref<1x128xi32, #tpu.memory_space<vmem>> -> memref<128xi32, #tpu.memory_space<vmem>>
        %dma_start3A_20 = arith.constant 0 : i32
        %dma_start3A_21 = arith.constant 0 : i32
        %dma_start3A_22 = tpu.memref_slice %arg8[%dma_start3A_20, %dma_start3A_21] : memref<10048x8xf32, #tpu.memory_space<vmem_shared>> -> memref<10048x8xf32, #tpu.memory_space<vmem_shared>>
        tpu.enqueue_indirect_dma source(%arg7 : memref<128x8xf32, #tpu.memory_space<vmem>>) target(%dma_start3A_22 : memref<10048x8xf32, #tpu.memory_space<vmem_shared>>) offsets(%dma_start3A_19 : memref<128xi32, #tpu.memory_space<vmem>>) semaphore(%run_scoped3A : memref<!tpu.dma_semaphore, #tpu.memory_space<semaphore_mem>>) {add = true}
        %dma_wait3A = arith.constant 0 : i32
        %dma_wait3A_23 = tpu.memref_slice %arg6[%scan3A_17, %dma_wait3A] : memref<40x128xi32, #tpu.memory_space<vmem>> -> memref<1x128xi32, #tpu.memory_space<vmem>>
        %dma_wait3A_24 = tpu.memref_squeeze %dma_wait3A_23 : memref<1x128xi32, #tpu.memory_space<vmem>> -> memref<128xi32, #tpu.memory_space<vmem>>
        %dma_wait3A_25 = arith.constant 0 : i32
        %dma_wait3A_26 = arith.constant 0 : i32
        %dma_wait3A_27 = tpu.memref_slice %arg8[%dma_wait3A_25, %dma_wait3A_26] : memref<10048x8xf32, #tpu.memory_space<vmem_shared>> -> memref<10048x8xf32, #tpu.memory_space<vmem_shared>>
        tpu.wait_indirect_dma semaphore(%run_scoped3A : memref<!tpu.dma_semaphore, #tpu.memory_space<semaphore_mem>>) src(%arg7 : memref<128x8xf32, #tpu.memory_space<vmem>>) dst(%dma_wait3A_27 : memref<10048x8xf32, #tpu.memory_space<vmem_shared>>)
        tpu.yield
      }) : () -> ()
    }
    %scan3A_11 = arith.constant 40 : i32
    %barrier3A_12 = arith.constant 0 : index
    tpu.barrier barrier_id(%barrier3A_12)
    %mul3A_13 = arith.constant 628 : i32
    %mul3A_14 = arith.muli %arg1, %mul3A_13 : i32
    %mul3A_15 = arith.constant 628 : i32
    %mul3A_16 = arith.muli %arg1, %mul3A_15 : i32
    "tpu.region"() ({
      %run_scoped3A = tpu.sem_alloc : memref<!tpu.dma_semaphore, #tpu.memory_space<semaphore_mem>>
      %dma_start3A = arith.constant 0 : i32
      %dma_start3A_17 = tpu.memref_slice %arg5[%arg0, %mul3A_16, %dma_start3A] : memref<2x10048x8xf32, #tpu.memory_space<hbm>> -> memref<1x628x8xf32, #tpu.memory_space<hbm>>
      %dma_start3A_18 = tpu.memref_squeeze %dma_start3A_17 : memref<1x628x8xf32, #tpu.memory_space<hbm>> -> memref<628x8xf32, #tpu.memory_space<hbm>>
      %dma_start3A_19 = arith.constant 0 : i32
      %dma_start3A_20 = tpu.memref_slice %arg8[%mul3A_14, %dma_start3A_19] : memref<10048x8xf32, #tpu.memory_space<vmem_shared>> -> memref<628x8xf32, #tpu.memory_space<vmem_shared>>
      tpu.enqueue_dma source(%dma_start3A_20 : memref<628x8xf32, #tpu.memory_space<vmem_shared>>) target(%dma_start3A_18 : memref<628x8xf32, #tpu.memory_space<hbm>>) target_semaphore(%run_scoped3A : memref<!tpu.dma_semaphore, #tpu.memory_space<semaphore_mem>>)
      %dma_wait3A = arith.constant 0 : i32
      %dma_wait3A_21 = tpu.memref_slice %arg5[%arg0, %mul3A_16, %dma_wait3A] : memref<2x10048x8xf32, #tpu.memory_space<hbm>> -> memref<1x628x8xf32, #tpu.memory_space<hbm>>
      %dma_wait3A_22 = tpu.memref_squeeze %dma_wait3A_21 : memref<1x628x8xf32, #tpu.memory_space<hbm>> -> memref<628x8xf32, #tpu.memory_space<hbm>>
      %dma_wait3A_23 = arith.constant 0 : i32
      %dma_wait3A_24 = tpu.memref_slice %arg8[%mul3A_14, %dma_wait3A_23] : memref<10048x8xf32, #tpu.memory_space<vmem_shared>> -> memref<628x8xf32, #tpu.memory_space<vmem_shared>>
      tpu.wait_dma2 semaphore(%run_scoped3A : memref<!tpu.dma_semaphore, #tpu.memory_space<semaphore_mem>>) src(%dma_wait3A_24 : memref<628x8xf32, #tpu.memory_space<vmem_shared>>) dst(%dma_wait3A_22 : memref<628x8xf32, #tpu.memory_space<hbm>>)
      tpu.yield
    }) : () -> ()
    return
  }
}

#map = affine_map<(d0, d1) -> (0, 0)>
#map1 = affine_map<(d0, d1) -> (0, 0, 0)>
module attributes {stable_mosaic.version = 14 : i64} {
  func.func @agg(%arg0: i32, %arg1: i32, %arg2: memref<10000x64xf32, #tpu.memory_space<hbm>>, %arg3: memref<10000x64xf32, #tpu.memory_space<hbm>>, %arg4: memref<1280x128xi32, #tpu.memory_space<hbm>>, %arg5: memref<1280x128xi32, #tpu.memory_space<hbm>>, %arg6: memref<10048x64xf32, #tpu.memory_space<hbm>>, %arg7: memref<2x10048x64xf32, #tpu.memory_space<hbm>>, %arg8: memref<80x128xi32, #tpu.memory_space<vmem>>, %arg9: memref<80x128xi32, #tpu.memory_space<vmem>>, %arg10: memref<2x128x64xf32, #tpu.memory_space<vmem>>, %arg11: memref<10000x64xf32, #tpu.memory_space<vmem_shared>>, %arg12: memref<10048x64xf32, #tpu.memory_space<vmem_shared>>, %arg13: memref<!tpu.dma_semaphore, #tpu.memory_space<semaphore_mem>>, %arg14: memref<!tpu.dma_semaphore, #tpu.memory_space<semaphore_mem>>, %arg15: memref<!tpu.dma_semaphore, #tpu.memory_space<semaphore_mem>>, %arg16: memref<!tpu.dma_semaphore, #tpu.memory_space<semaphore_mem>>) attributes {dimension_semantics = [#tpu.dimension_semantics<core_parallel>, #tpu.dimension_semantics<subcore_parallel>], iteration_bounds = array<i64: 2, 16>, scalar_prefetch = 0 : i64, scratch_operands = 9 : i64, tpu.core_type = #tpu.core_type<sc_vector_subcore>, window_params = [{transform_indices = #map}, {transform_indices = #map}, {transform_indices = #map}, {transform_indices = #map}, {transform_indices = #map}, {transform_indices = #map1}]} {
    %mul3A = arith.constant 80 : i32
    %mul3A_0 = arith.muli %arg1, %mul3A : i32
    %dma_start3A = arith.constant 0 : i32
    %dma_start3A_1 = tpu.memref_slice %arg4[%mul3A_0, %dma_start3A] : memref<1280x128xi32, #tpu.memory_space<hbm>> -> memref<80x128xi32, #tpu.memory_space<hbm>>
    %dma_start3A_2 = arith.constant 0 : i32
    %dma_start3A_3 = tpu.memref_slice %arg4[%mul3A_0, %dma_start3A_2] : memref<1280x128xi32, #tpu.memory_space<hbm>> -> memref<80x128xi32, #tpu.memory_space<hbm>>
    tpu.enqueue_dma source(%dma_start3A_3 : memref<80x128xi32, #tpu.memory_space<hbm>>) target(%arg8 : memref<80x128xi32, #tpu.memory_space<vmem>>) target_semaphore(%arg13 : memref<!tpu.dma_semaphore, #tpu.memory_space<semaphore_mem>>)
    %mul3A_4 = arith.constant 80 : i32
    %mul3A_5 = arith.muli %arg1, %mul3A_4 : i32
    %dma_start3A_6 = arith.constant 0 : i32
    %dma_start3A_7 = tpu.memref_slice %arg5[%mul3A_5, %dma_start3A_6] : memref<1280x128xi32, #tpu.memory_space<hbm>> -> memref<80x128xi32, #tpu.memory_space<hbm>>
    %dma_start3A_8 = arith.constant 0 : i32
    %dma_start3A_9 = tpu.memref_slice %arg5[%mul3A_5, %dma_start3A_8] : memref<1280x128xi32, #tpu.memory_space<hbm>> -> memref<80x128xi32, #tpu.memory_space<hbm>>
    tpu.enqueue_dma source(%dma_start3A_9 : memref<80x128xi32, #tpu.memory_space<hbm>>) target(%arg9 : memref<80x128xi32, #tpu.memory_space<vmem>>) target_semaphore(%arg14 : memref<!tpu.dma_semaphore, #tpu.memory_space<semaphore_mem>>)
    %mul3A_10 = arith.constant 628 : i32
    %mul3A_11 = arith.muli %arg1, %mul3A_10 : i32
    %mul3A_12 = arith.constant 628 : i32
    %mul3A_13 = arith.muli %arg1, %mul3A_12 : i32
    %dma_start3A_14 = arith.constant 0 : i32
    %dma_start3A_15 = tpu.memref_slice %arg12[%mul3A_13, %dma_start3A_14] : memref<10048x64xf32, #tpu.memory_space<vmem_shared>> -> memref<628x64xf32, #tpu.memory_space<vmem_shared>>
    %dma_start3A_16 = arith.constant 0 : i32
    %dma_start3A_17 = tpu.memref_slice %arg6[%mul3A_11, %dma_start3A_16] : memref<10048x64xf32, #tpu.memory_space<hbm>> -> memref<628x64xf32, #tpu.memory_space<hbm>>
    tpu.enqueue_dma source(%dma_start3A_17 : memref<628x64xf32, #tpu.memory_space<hbm>>) target(%dma_start3A_15 : memref<628x64xf32, #tpu.memory_space<vmem_shared>>) target_semaphore(%arg15 : memref<!tpu.dma_semaphore, #tpu.memory_space<semaphore_mem>>)
    %mul3A_18 = arith.constant 625 : i32
    %mul3A_19 = arith.muli %arg1, %mul3A_18 : i32
    %eq3A = arith.constant 0 : i32
    %eq3A_20 = arith.cmpi eq, %arg0, %eq3A : i32
    %convert_element_type3A = arith.extui %eq3A_20 : i1 to i32
    %cond3A = arith.constant 0 : i32
    %cond3A_21 = arith.cmpi ne, %convert_element_type3A, %cond3A : i32
    scf.if %cond3A_21 {
      %mul3A_86 = arith.constant 625 : i32
      %mul3A_87 = arith.muli %arg1, %mul3A_86 : i32
      %dma_start3A_88 = arith.constant 0 : i32
      %dma_start3A_89 = tpu.memref_slice %arg11[%mul3A_19, %dma_start3A_88] : memref<10000x64xf32, #tpu.memory_space<vmem_shared>> -> memref<625x64xf32, #tpu.memory_space<vmem_shared>>
      %dma_start3A_90 = arith.constant 0 : i32
      %dma_start3A_91 = tpu.memref_slice %arg2[%mul3A_87, %dma_start3A_90] : memref<10000x64xf32, #tpu.memory_space<hbm>> -> memref<625x64xf32, #tpu.memory_space<hbm>>
      tpu.enqueue_dma source(%dma_start3A_91 : memref<625x64xf32, #tpu.memory_space<hbm>>) target(%dma_start3A_89 : memref<625x64xf32, #tpu.memory_space<vmem_shared>>) target_semaphore(%arg16 : memref<!tpu.dma_semaphore, #tpu.memory_space<semaphore_mem>>)
    } else {
    }
    %eq3A_22 = arith.constant 1 : i32
    %eq3A_23 = arith.cmpi eq, %arg0, %eq3A_22 : i32
    %convert_element_type3A_24 = arith.extui %eq3A_23 : i1 to i32
    %cond3A_25 = arith.constant 0 : i32
    %cond3A_26 = arith.cmpi ne, %convert_element_type3A_24, %cond3A_25 : i32
    scf.if %cond3A_26 {
      %mul3A_86 = arith.constant 625 : i32
      %mul3A_87 = arith.muli %arg1, %mul3A_86 : i32
      %dma_start3A_88 = arith.constant 0 : i32
      %dma_start3A_89 = tpu.memref_slice %arg11[%mul3A_19, %dma_start3A_88] : memref<10000x64xf32, #tpu.memory_space<vmem_shared>> -> memref<625x64xf32, #tpu.memory_space<vmem_shared>>
      %dma_start3A_90 = arith.constant 0 : i32
      %dma_start3A_91 = tpu.memref_slice %arg3[%mul3A_87, %dma_start3A_90] : memref<10000x64xf32, #tpu.memory_space<hbm>> -> memref<625x64xf32, #tpu.memory_space<hbm>>
      tpu.enqueue_dma source(%dma_start3A_91 : memref<625x64xf32, #tpu.memory_space<hbm>>) target(%dma_start3A_89 : memref<625x64xf32, #tpu.memory_space<vmem_shared>>) target_semaphore(%arg16 : memref<!tpu.dma_semaphore, #tpu.memory_space<semaphore_mem>>)
    } else {
    }
    %mul3A_27 = arith.constant 80 : i32
    %mul3A_28 = arith.muli %arg1, %mul3A_27 : i32
    %dma_wait3A = arith.constant 0 : i32
    %dma_wait3A_29 = tpu.memref_slice %arg4[%mul3A_28, %dma_wait3A] : memref<1280x128xi32, #tpu.memory_space<hbm>> -> memref<80x128xi32, #tpu.memory_space<hbm>>
    %dma_wait3A_30 = arith.constant 0 : i32
    %dma_wait3A_31 = tpu.memref_slice %arg4[%mul3A_28, %dma_wait3A_30] : memref<1280x128xi32, #tpu.memory_space<hbm>> -> memref<80x128xi32, #tpu.memory_space<hbm>>
    tpu.wait_dma2 semaphore(%arg13 : memref<!tpu.dma_semaphore, #tpu.memory_space<semaphore_mem>>) src(%dma_wait3A_31 : memref<80x128xi32, #tpu.memory_space<hbm>>) dst(%arg8 : memref<80x128xi32, #tpu.memory_space<vmem>>)
    %mul3A_32 = arith.constant 80 : i32
    %mul3A_33 = arith.muli %arg1, %mul3A_32 : i32
    %dma_wait3A_34 = arith.constant 0 : i32
    %dma_wait3A_35 = tpu.memref_slice %arg5[%mul3A_33, %dma_wait3A_34] : memref<1280x128xi32, #tpu.memory_space<hbm>> -> memref<80x128xi32, #tpu.memory_space<hbm>>
    %dma_wait3A_36 = arith.constant 0 : i32
    %dma_wait3A_37 = tpu.memref_slice %arg5[%mul3A_33, %dma_wait3A_36] : memref<1280x128xi32, #tpu.memory_space<hbm>> -> memref<80x128xi32, #tpu.memory_space<hbm>>
    tpu.wait_dma2 semaphore(%arg14 : memref<!tpu.dma_semaphore, #tpu.memory_space<semaphore_mem>>) src(%dma_wait3A_37 : memref<80x128xi32, #tpu.memory_space<hbm>>) dst(%arg9 : memref<80x128xi32, #tpu.memory_space<vmem>>)
    %mul3A_38 = arith.constant 628 : i32
    %mul3A_39 = arith.muli %arg1, %mul3A_38 : i32
    %mul3A_40 = arith.constant 628 : i32
    %mul3A_41 = arith.muli %arg1, %mul3A_40 : i32
    %dma_wait3A_42 = arith.constant 0 : i32
    %dma_wait3A_43 = tpu.memref_slice %arg12[%mul3A_41, %dma_wait3A_42] : memref<10048x64xf32, #tpu.memory_space<vmem_shared>> -> memref<628x64xf32, #tpu.memory_space<vmem_shared>>
    %dma_wait3A_44 = arith.constant 0 : i32
    %dma_wait3A_45 = tpu.memref_slice %arg6[%mul3A_39, %dma_wait3A_44] : memref<10048x64xf32, #tpu.memory_space<hbm>> -> memref<628x64xf32, #tpu.memory_space<hbm>>
    tpu.wait_dma2 semaphore(%arg15 : memref<!tpu.dma_semaphore, #tpu.memory_space<semaphore_mem>>) src(%dma_wait3A_45 : memref<628x64xf32, #tpu.memory_space<hbm>>) dst(%dma_wait3A_43 : memref<628x64xf32, #tpu.memory_space<vmem_shared>>)
    %mul3A_46 = arith.constant 625 : i32
    %mul3A_47 = arith.muli %arg1, %mul3A_46 : i32
    %dma_wait3A_48 = arith.constant 0 : i32
    %dma_wait3A_49 = tpu.memref_slice %arg11[%mul3A_19, %dma_wait3A_48] : memref<10000x64xf32, #tpu.memory_space<vmem_shared>> -> memref<625x64xf32, #tpu.memory_space<vmem_shared>>
    %dma_wait3A_50 = arith.constant 0 : i32
    %dma_wait3A_51 = tpu.memref_slice %arg2[%mul3A_47, %dma_wait3A_50] : memref<10000x64xf32, #tpu.memory_space<hbm>> -> memref<625x64xf32, #tpu.memory_space<hbm>>
    tpu.wait_dma2 semaphore(%arg16 : memref<!tpu.dma_semaphore, #tpu.memory_space<semaphore_mem>>) src(%dma_wait3A_51 : memref<625x64xf32, #tpu.memory_space<hbm>>) dst(%dma_wait3A_49 : memref<625x64xf32, #tpu.memory_space<vmem_shared>>)
    %barrier3A = arith.constant 0 : index
    tpu.barrier barrier_id(%barrier3A)
    %dma_start3A_52 = arith.constant 0 : i32
    %dma_start3A_53 = arith.constant 0 : i32
    %dma_start3A_54 = arith.constant 0 : i32
    %dma_start3A_55 = arith.constant 0 : i32
    %dma_start3A_56 = tpu.memref_slice %arg10[%dma_start3A_53, %dma_start3A_54, %dma_start3A_55] : memref<2x128x64xf32, #tpu.memory_space<vmem>> -> memref<1x128x64xf32, #tpu.memory_space<vmem>>
    %dma_start3A_57 = tpu.memref_squeeze %dma_start3A_56 : memref<1x128x64xf32, #tpu.memory_space<vmem>> -> memref<128x64xf32, #tpu.memory_space<vmem>>
    %dma_start3A_58 = arith.constant 0 : i32
    %dma_start3A_59 = tpu.memref_slice %arg8[%dma_start3A_52, %dma_start3A_58] : memref<80x128xi32, #tpu.memory_space<vmem>> -> memref<1x128xi32, #tpu.memory_space<vmem>>
    %dma_start3A_60 = tpu.memref_squeeze %dma_start3A_59 : memref<1x128xi32, #tpu.memory_space<vmem>> -> memref<128xi32, #tpu.memory_space<vmem>>
    %dma_start3A_61 = arith.constant 0 : i32
    %dma_start3A_62 = arith.constant 0 : i32
    %dma_start3A_63 = tpu.memref_slice %arg11[%dma_start3A_61, %dma_start3A_62] : memref<10000x64xf32, #tpu.memory_space<vmem_shared>> -> memref<10000x64xf32, #tpu.memory_space<vmem_shared>>
    tpu.enqueue_indirect_dma source(%dma_start3A_63 : memref<10000x64xf32, #tpu.memory_space<vmem_shared>>) target(%dma_start3A_57 : memref<128x64xf32, #tpu.memory_space<vmem>>) offsets(%dma_start3A_60 : memref<128xi32, #tpu.memory_space<vmem>>) semaphore(%arg13 : memref<!tpu.dma_semaphore, #tpu.memory_space<semaphore_mem>>)
    %dma_start3A_64 = arith.constant 1 : i32
    %dma_start3A_65 = arith.constant 1 : i32
    %dma_start3A_66 = arith.constant 0 : i32
    %dma_start3A_67 = arith.constant 0 : i32
    %dma_start3A_68 = tpu.memref_slice %arg10[%dma_start3A_65, %dma_start3A_66, %dma_start3A_67] : memref<2x128x64xf32, #tpu.memory_space<vmem>> -> memref<1x128x64xf32, #tpu.memory_space<vmem>>
    %dma_start3A_69 = tpu.memref_squeeze %dma_start3A_68 : memref<1x128x64xf32, #tpu.memory_space<vmem>> -> memref<128x64xf32, #tpu.memory_space<vmem>>
    %dma_start3A_70 = arith.constant 0 : i32
    %dma_start3A_71 = tpu.memref_slice %arg8[%dma_start3A_64, %dma_start3A_70] : memref<80x128xi32, #tpu.memory_space<vmem>> -> memref<1x128xi32, #tpu.memory_space<vmem>>
    %dma_start3A_72 = tpu.memref_squeeze %dma_start3A_71 : memref<1x128xi32, #tpu.memory_space<vmem>> -> memref<128xi32, #tpu.memory_space<vmem>>
    %dma_start3A_73 = arith.constant 0 : i32
    %dma_start3A_74 = arith.constant 0 : i32
    %dma_start3A_75 = tpu.memref_slice %arg11[%dma_start3A_73, %dma_start3A_74] : memref<10000x64xf32, #tpu.memory_space<vmem_shared>> -> memref<10000x64xf32, #tpu.memory_space<vmem_shared>>
    tpu.enqueue_indirect_dma source(%dma_start3A_75 : memref<10000x64xf32, #tpu.memory_space<vmem_shared>>) target(%dma_start3A_69 : memref<128x64xf32, #tpu.memory_space<vmem>>) offsets(%dma_start3A_72 : memref<128xi32, #tpu.memory_space<vmem>>) semaphore(%arg14 : memref<!tpu.dma_semaphore, #tpu.memory_space<semaphore_mem>>)
    %scan3A = arith.constant 0 : i32
    %scan3A_76 = arith.constant 0 : i32
    %scan3A_77 = arith.constant 40 : i32
    %scan3A_78 = arith.addi %scan3A_76, %scan3A_77 : i32
    %scan3A_79 = arith.constant 1 : i32
    scf.for %scan3A_86 = %scan3A_76 to %scan3A_78 step %scan3A_79  : i32 {
      %mul3A_87 = arith.constant 2 : i32
      %mul3A_88 = arith.muli %scan3A_86, %mul3A_87 : i32
      %add3A = arith.constant 0 : i32
      %add3A_89 = arith.addi %mul3A_88, %add3A : i32
      %dma_wait3A_90 = arith.constant 0 : i32
      %dma_wait3A_91 = arith.constant 0 : i32
      %dma_wait3A_92 = arith.constant 0 : i32
      %dma_wait3A_93 = tpu.memref_slice %arg10[%dma_wait3A_90, %dma_wait3A_91, %dma_wait3A_92] : memref<2x128x64xf32, #tpu.memory_space<vmem>> -> memref<1x128x64xf32, #tpu.memory_space<vmem>>
      %dma_wait3A_94 = tpu.memref_squeeze %dma_wait3A_93 : memref<1x128x64xf32, #tpu.memory_space<vmem>> -> memref<128x64xf32, #tpu.memory_space<vmem>>
      %dma_wait3A_95 = arith.constant 0 : i32
      %dma_wait3A_96 = tpu.memref_slice %arg8[%add3A_89, %dma_wait3A_95] : memref<80x128xi32, #tpu.memory_space<vmem>> -> memref<1x128xi32, #tpu.memory_space<vmem>>
      %dma_wait3A_97 = tpu.memref_squeeze %dma_wait3A_96 : memref<1x128xi32, #tpu.memory_space<vmem>> -> memref<128xi32, #tpu.memory_space<vmem>>
      %dma_wait3A_98 = arith.constant 0 : i32
      %dma_wait3A_99 = arith.constant 0 : i32
      %dma_wait3A_100 = tpu.memref_slice %arg11[%dma_wait3A_98, %dma_wait3A_99] : memref<10000x64xf32, #tpu.memory_space<vmem_shared>> -> memref<10000x64xf32, #tpu.memory_space<vmem_shared>>
      tpu.wait_indirect_dma semaphore(%arg13 : memref<!tpu.dma_semaphore, #tpu.memory_space<semaphore_mem>>) src(%dma_wait3A_100 : memref<10000x64xf32, #tpu.memory_space<vmem_shared>>) dst(%dma_wait3A_94 : memref<128x64xf32, #tpu.memory_space<vmem>>)
      %run_scoped3A = arith.constant 0 : i32
      "tpu.region"() ({
        %run_scoped3A_130 = tpu.sem_alloc : memref<!tpu.dma_semaphore, #tpu.memory_space<semaphore_mem>>
        %dma_start3A_131 = arith.constant 0 : i32
        %dma_start3A_132 = arith.constant 0 : i32
        %dma_start3A_133 = tpu.memref_slice %arg10[%run_scoped3A, %dma_start3A_131, %dma_start3A_132] : memref<2x128x64xf32, #tpu.memory_space<vmem>> -> memref<1x128x64xf32, #tpu.memory_space<vmem>>
        %dma_start3A_134 = tpu.memref_squeeze %dma_start3A_133 : memref<1x128x64xf32, #tpu.memory_space<vmem>> -> memref<128x64xf32, #tpu.memory_space<vmem>>
        %dma_start3A_135 = arith.constant 0 : i32
        %dma_start3A_136 = tpu.memref_slice %arg9[%add3A_89, %dma_start3A_135] : memref<80x128xi32, #tpu.memory_space<vmem>> -> memref<1x128xi32, #tpu.memory_space<vmem>>
        %dma_start3A_137 = tpu.memref_squeeze %dma_start3A_136 : memref<1x128xi32, #tpu.memory_space<vmem>> -> memref<128xi32, #tpu.memory_space<vmem>>
        %dma_start3A_138 = arith.constant 0 : i32
        %dma_start3A_139 = arith.constant 0 : i32
        %dma_start3A_140 = tpu.memref_slice %arg12[%dma_start3A_138, %dma_start3A_139] : memref<10048x64xf32, #tpu.memory_space<vmem_shared>> -> memref<10048x64xf32, #tpu.memory_space<vmem_shared>>
        tpu.enqueue_indirect_dma source(%dma_start3A_134 : memref<128x64xf32, #tpu.memory_space<vmem>>) target(%dma_start3A_140 : memref<10048x64xf32, #tpu.memory_space<vmem_shared>>) offsets(%dma_start3A_137 : memref<128xi32, #tpu.memory_space<vmem>>) semaphore(%run_scoped3A_130 : memref<!tpu.dma_semaphore, #tpu.memory_space<semaphore_mem>>) {add = true}
        %dma_wait3A_141 = arith.constant 0 : i32
        %dma_wait3A_142 = arith.constant 0 : i32
        %dma_wait3A_143 = tpu.memref_slice %arg10[%run_scoped3A, %dma_wait3A_141, %dma_wait3A_142] : memref<2x128x64xf32, #tpu.memory_space<vmem>> -> memref<1x128x64xf32, #tpu.memory_space<vmem>>
        %dma_wait3A_144 = tpu.memref_squeeze %dma_wait3A_143 : memref<1x128x64xf32, #tpu.memory_space<vmem>> -> memref<128x64xf32, #tpu.memory_space<vmem>>
        %dma_wait3A_145 = arith.constant 0 : i32
        %dma_wait3A_146 = tpu.memref_slice %arg9[%add3A_89, %dma_wait3A_145] : memref<80x128xi32, #tpu.memory_space<vmem>> -> memref<1x128xi32, #tpu.memory_space<vmem>>
        %dma_wait3A_147 = tpu.memref_squeeze %dma_wait3A_146 : memref<1x128xi32, #tpu.memory_space<vmem>> -> memref<128xi32, #tpu.memory_space<vmem>>
        %dma_wait3A_148 = arith.constant 0 : i32
        %dma_wait3A_149 = arith.constant 0 : i32
        %dma_wait3A_150 = tpu.memref_slice %arg12[%dma_wait3A_148, %dma_wait3A_149] : memref<10048x64xf32, #tpu.memory_space<vmem_shared>> -> memref<10048x64xf32, #tpu.memory_space<vmem_shared>>
        tpu.wait_indirect_dma semaphore(%run_scoped3A_130 : memref<!tpu.dma_semaphore, #tpu.memory_space<semaphore_mem>>) src(%dma_wait3A_144 : memref<128x64xf32, #tpu.memory_space<vmem>>) dst(%dma_wait3A_150 : memref<10048x64xf32, #tpu.memory_space<vmem_shared>>)
        tpu.yield
      }) : () -> ()
      %add3A_101 = arith.constant 2 : i32
      %add3A_102 = arith.addi %add3A_89, %add3A_101 : i32
      %lt3A = arith.constant 80 : i32
      %lt3A_103 = arith.cmpi slt, %add3A_102, %lt3A : i32
      %convert_element_type3A_104 = arith.extui %lt3A_103 : i1 to i32
      %cond3A_105 = arith.constant 0 : i32
      %cond3A_106 = arith.cmpi ne, %convert_element_type3A_104, %cond3A_105 : i32
      scf.if %cond3A_106 {
        %add3A_130 = arith.constant 2 : i32
        %add3A_131 = arith.addi %add3A_89, %add3A_130 : i32
        %dma_start3A_132 = arith.constant 0 : i32
        %dma_start3A_133 = arith.constant 0 : i32
        %dma_start3A_134 = arith.constant 0 : i32
        %dma_start3A_135 = tpu.memref_slice %arg10[%dma_start3A_132, %dma_start3A_133, %dma_start3A_134] : memref<2x128x64xf32, #tpu.memory_space<vmem>> -> memref<1x128x64xf32, #tpu.memory_space<vmem>>
        %dma_start3A_136 = tpu.memref_squeeze %dma_start3A_135 : memref<1x128x64xf32, #tpu.memory_space<vmem>> -> memref<128x64xf32, #tpu.memory_space<vmem>>
        %dma_start3A_137 = arith.constant 0 : i32
        %dma_start3A_138 = tpu.memref_slice %arg8[%add3A_131, %dma_start3A_137] : memref<80x128xi32, #tpu.memory_space<vmem>> -> memref<1x128xi32, #tpu.memory_space<vmem>>
        %dma_start3A_139 = tpu.memref_squeeze %dma_start3A_138 : memref<1x128xi32, #tpu.memory_space<vmem>> -> memref<128xi32, #tpu.memory_space<vmem>>
        %dma_start3A_140 = arith.constant 0 : i32
        %dma_start3A_141 = arith.constant 0 : i32
        %dma_start3A_142 = tpu.memref_slice %arg11[%dma_start3A_140, %dma_start3A_141] : memref<10000x64xf32, #tpu.memory_space<vmem_shared>> -> memref<10000x64xf32, #tpu.memory_space<vmem_shared>>
        tpu.enqueue_indirect_dma source(%dma_start3A_142 : memref<10000x64xf32, #tpu.memory_space<vmem_shared>>) target(%dma_start3A_136 : memref<128x64xf32, #tpu.memory_space<vmem>>) offsets(%dma_start3A_139 : memref<128xi32, #tpu.memory_space<vmem>>) semaphore(%arg13 : memref<!tpu.dma_semaphore, #tpu.memory_space<semaphore_mem>>)
      } else {
      }
      %mul3A_107 = arith.constant 2 : i32
      %mul3A_108 = arith.muli %scan3A_86, %mul3A_107 : i32
      %add3A_109 = arith.constant 1 : i32
      %add3A_110 = arith.addi %mul3A_108, %add3A_109 : i32
      %dma_wait3A_111 = arith.constant 1 : i32
      %dma_wait3A_112 = arith.constant 0 : i32
      %dma_wait3A_113 = arith.constant 0 : i32
      %dma_wait3A_114 = tpu.memref_slice %arg10[%dma_wait3A_111, %dma_wait3A_112, %dma_wait3A_113] : memref<2x128x64xf32, #tpu.memory_space<vmem>> -> memref<1x128x64xf32, #tpu.memory_space<vmem>>
      %dma_wait3A_115 = tpu.memref_squeeze %dma_wait3A_114 : memref<1x128x64xf32, #tpu.memory_space<vmem>> -> memref<128x64xf32, #tpu.memory_space<vmem>>
      %dma_wait3A_116 = arith.constant 0 : i32
      %dma_wait3A_117 = tpu.memref_slice %arg8[%add3A_110, %dma_wait3A_116] : memref<80x128xi32, #tpu.memory_space<vmem>> -> memref<1x128xi32, #tpu.memory_space<vmem>>
      %dma_wait3A_118 = tpu.memref_squeeze %dma_wait3A_117 : memref<1x128xi32, #tpu.memory_space<vmem>> -> memref<128xi32, #tpu.memory_space<vmem>>
      %dma_wait3A_119 = arith.constant 0 : i32
      %dma_wait3A_120 = arith.constant 0 : i32
      %dma_wait3A_121 = tpu.memref_slice %arg11[%dma_wait3A_119, %dma_wait3A_120] : memref<10000x64xf32, #tpu.memory_space<vmem_shared>> -> memref<10000x64xf32, #tpu.memory_space<vmem_shared>>
      tpu.wait_indirect_dma semaphore(%arg14 : memref<!tpu.dma_semaphore, #tpu.memory_space<semaphore_mem>>) src(%dma_wait3A_121 : memref<10000x64xf32, #tpu.memory_space<vmem_shared>>) dst(%dma_wait3A_115 : memref<128x64xf32, #tpu.memory_space<vmem>>)
      %run_scoped3A_122 = arith.constant 1 : i32
      "tpu.region"() ({
        %run_scoped3A_130 = tpu.sem_alloc : memref<!tpu.dma_semaphore, #tpu.memory_space<semaphore_mem>>
        %dma_start3A_131 = arith.constant 0 : i32
        %dma_start3A_132 = arith.constant 0 : i32
        %dma_start3A_133 = tpu.memref_slice %arg10[%run_scoped3A_122, %dma_start3A_131, %dma_start3A_132] : memref<2x128x64xf32, #tpu.memory_space<vmem>> -> memref<1x128x64xf32, #tpu.memory_space<vmem>>
        %dma_start3A_134 = tpu.memref_squeeze %dma_start3A_133 : memref<1x128x64xf32, #tpu.memory_space<vmem>> -> memref<128x64xf32, #tpu.memory_space<vmem>>
        %dma_start3A_135 = arith.constant 0 : i32
        %dma_start3A_136 = tpu.memref_slice %arg9[%add3A_110, %dma_start3A_135] : memref<80x128xi32, #tpu.memory_space<vmem>> -> memref<1x128xi32, #tpu.memory_space<vmem>>
        %dma_start3A_137 = tpu.memref_squeeze %dma_start3A_136 : memref<1x128xi32, #tpu.memory_space<vmem>> -> memref<128xi32, #tpu.memory_space<vmem>>
        %dma_start3A_138 = arith.constant 0 : i32
        %dma_start3A_139 = arith.constant 0 : i32
        %dma_start3A_140 = tpu.memref_slice %arg12[%dma_start3A_138, %dma_start3A_139] : memref<10048x64xf32, #tpu.memory_space<vmem_shared>> -> memref<10048x64xf32, #tpu.memory_space<vmem_shared>>
        tpu.enqueue_indirect_dma source(%dma_start3A_134 : memref<128x64xf32, #tpu.memory_space<vmem>>) target(%dma_start3A_140 : memref<10048x64xf32, #tpu.memory_space<vmem_shared>>) offsets(%dma_start3A_137 : memref<128xi32, #tpu.memory_space<vmem>>) semaphore(%run_scoped3A_130 : memref<!tpu.dma_semaphore, #tpu.memory_space<semaphore_mem>>) {add = true}
        %dma_wait3A_141 = arith.constant 0 : i32
        %dma_wait3A_142 = arith.constant 0 : i32
        %dma_wait3A_143 = tpu.memref_slice %arg10[%run_scoped3A_122, %dma_wait3A_141, %dma_wait3A_142] : memref<2x128x64xf32, #tpu.memory_space<vmem>> -> memref<1x128x64xf32, #tpu.memory_space<vmem>>
        %dma_wait3A_144 = tpu.memref_squeeze %dma_wait3A_143 : memref<1x128x64xf32, #tpu.memory_space<vmem>> -> memref<128x64xf32, #tpu.memory_space<vmem>>
        %dma_wait3A_145 = arith.constant 0 : i32
        %dma_wait3A_146 = tpu.memref_slice %arg9[%add3A_110, %dma_wait3A_145] : memref<80x128xi32, #tpu.memory_space<vmem>> -> memref<1x128xi32, #tpu.memory_space<vmem>>
        %dma_wait3A_147 = tpu.memref_squeeze %dma_wait3A_146 : memref<1x128xi32, #tpu.memory_space<vmem>> -> memref<128xi32, #tpu.memory_space<vmem>>
        %dma_wait3A_148 = arith.constant 0 : i32
        %dma_wait3A_149 = arith.constant 0 : i32
        %dma_wait3A_150 = tpu.memref_slice %arg12[%dma_wait3A_148, %dma_wait3A_149] : memref<10048x64xf32, #tpu.memory_space<vmem_shared>> -> memref<10048x64xf32, #tpu.memory_space<vmem_shared>>
        tpu.wait_indirect_dma semaphore(%run_scoped3A_130 : memref<!tpu.dma_semaphore, #tpu.memory_space<semaphore_mem>>) src(%dma_wait3A_144 : memref<128x64xf32, #tpu.memory_space<vmem>>) dst(%dma_wait3A_150 : memref<10048x64xf32, #tpu.memory_space<vmem_shared>>)
        tpu.yield
      }) : () -> ()
      %add3A_123 = arith.constant 2 : i32
      %add3A_124 = arith.addi %add3A_110, %add3A_123 : i32
      %lt3A_125 = arith.constant 80 : i32
      %lt3A_126 = arith.cmpi slt, %add3A_124, %lt3A_125 : i32
      %convert_element_type3A_127 = arith.extui %lt3A_126 : i1 to i32
      %cond3A_128 = arith.constant 0 : i32
      %cond3A_129 = arith.cmpi ne, %convert_element_type3A_127, %cond3A_128 : i32
      scf.if %cond3A_129 {
        %add3A_130 = arith.constant 2 : i32
        %add3A_131 = arith.addi %add3A_110, %add3A_130 : i32
        %dma_start3A_132 = arith.constant 1 : i32
        %dma_start3A_133 = arith.constant 0 : i32
        %dma_start3A_134 = arith.constant 0 : i32
        %dma_start3A_135 = tpu.memref_slice %arg10[%dma_start3A_132, %dma_start3A_133, %dma_start3A_134] : memref<2x128x64xf32, #tpu.memory_space<vmem>> -> memref<1x128x64xf32, #tpu.memory_space<vmem>>
        %dma_start3A_136 = tpu.memref_squeeze %dma_start3A_135 : memref<1x128x64xf32, #tpu.memory_space<vmem>> -> memref<128x64xf32, #tpu.memory_space<vmem>>
        %dma_start3A_137 = arith.constant 0 : i32
        %dma_start3A_138 = tpu.memref_slice %arg8[%add3A_131, %dma_start3A_137] : memref<80x128xi32, #tpu.memory_space<vmem>> -> memref<1x128xi32, #tpu.memory_space<vmem>>
        %dma_start3A_139 = tpu.memref_squeeze %dma_start3A_138 : memref<1x128xi32, #tpu.memory_space<vmem>> -> memref<128xi32, #tpu.memory_space<vmem>>
        %dma_start3A_140 = arith.constant 0 : i32
        %dma_start3A_141 = arith.constant 0 : i32
        %dma_start3A_142 = tpu.memref_slice %arg11[%dma_start3A_140, %dma_start3A_141] : memref<10000x64xf32, #tpu.memory_space<vmem_shared>> -> memref<10000x64xf32, #tpu.memory_space<vmem_shared>>
        tpu.enqueue_indirect_dma source(%dma_start3A_142 : memref<10000x64xf32, #tpu.memory_space<vmem_shared>>) target(%dma_start3A_136 : memref<128x64xf32, #tpu.memory_space<vmem>>) offsets(%dma_start3A_139 : memref<128xi32, #tpu.memory_space<vmem>>) semaphore(%arg14 : memref<!tpu.dma_semaphore, #tpu.memory_space<semaphore_mem>>)
      } else {
      }
    }
    %scan3A_80 = arith.constant 40 : i32
    %barrier3A_81 = arith.constant 0 : index
    tpu.barrier barrier_id(%barrier3A_81)
    %mul3A_82 = arith.constant 628 : i32
    %mul3A_83 = arith.muli %arg1, %mul3A_82 : i32
    %mul3A_84 = arith.constant 628 : i32
    %mul3A_85 = arith.muli %arg1, %mul3A_84 : i32
    "tpu.region"() ({
      %run_scoped3A = tpu.sem_alloc : memref<!tpu.dma_semaphore, #tpu.memory_space<semaphore_mem>>
      %dma_start3A_86 = arith.constant 0 : i32
      %dma_start3A_87 = tpu.memref_slice %arg7[%arg0, %mul3A_85, %dma_start3A_86] : memref<2x10048x64xf32, #tpu.memory_space<hbm>> -> memref<1x628x64xf32, #tpu.memory_space<hbm>>
      %dma_start3A_88 = tpu.memref_squeeze %dma_start3A_87 : memref<1x628x64xf32, #tpu.memory_space<hbm>> -> memref<628x64xf32, #tpu.memory_space<hbm>>
      %dma_start3A_89 = arith.constant 0 : i32
      %dma_start3A_90 = tpu.memref_slice %arg12[%mul3A_83, %dma_start3A_89] : memref<10048x64xf32, #tpu.memory_space<vmem_shared>> -> memref<628x64xf32, #tpu.memory_space<vmem_shared>>
      tpu.enqueue_dma source(%dma_start3A_90 : memref<628x64xf32, #tpu.memory_space<vmem_shared>>) target(%dma_start3A_88 : memref<628x64xf32, #tpu.memory_space<hbm>>) target_semaphore(%run_scoped3A : memref<!tpu.dma_semaphore, #tpu.memory_space<semaphore_mem>>)
      %dma_wait3A_91 = arith.constant 0 : i32
      %dma_wait3A_92 = tpu.memref_slice %arg7[%arg0, %mul3A_85, %dma_wait3A_91] : memref<2x10048x64xf32, #tpu.memory_space<hbm>> -> memref<1x628x64xf32, #tpu.memory_space<hbm>>
      %dma_wait3A_93 = tpu.memref_squeeze %dma_wait3A_92 : memref<1x628x64xf32, #tpu.memory_space<hbm>> -> memref<628x64xf32, #tpu.memory_space<hbm>>
      %dma_wait3A_94 = arith.constant 0 : i32
      %dma_wait3A_95 = tpu.memref_slice %arg12[%mul3A_83, %dma_wait3A_94] : memref<10048x64xf32, #tpu.memory_space<vmem_shared>> -> memref<628x64xf32, #tpu.memory_space<vmem_shared>>
      tpu.wait_dma2 semaphore(%run_scoped3A : memref<!tpu.dma_semaphore, #tpu.memory_space<semaphore_mem>>) src(%dma_wait3A_95 : memref<628x64xf32, #tpu.memory_space<vmem_shared>>) dst(%dma_wait3A_93 : memref<628x64xf32, #tpu.memory_space<hbm>>)
      tpu.yield
    }) : () -> ()
    return
  }
}

#map = affine_map<(d0, d1) -> (0, 0)>
#map1 = affine_map<(d0, d1) -> (0, 0, 0)>
module attributes {stable_mosaic.version = 14 : i64} {
  func.func @agg(%arg0: i32, %arg1: i32, %arg2: memref<10000x64xf32, #tpu.memory_space<hbm>>, %arg3: memref<1280x128xi32, #tpu.memory_space<hbm>>, %arg4: memref<1280x128xi32, #tpu.memory_space<hbm>>, %arg5: memref<10048x64xf32, #tpu.memory_space<hbm>>, %arg6: memref<2x10048x64xf32, #tpu.memory_space<hbm>>, %arg7: memref<40x128xi32, #tpu.memory_space<vmem>>, %arg8: memref<40x128xi32, #tpu.memory_space<vmem>>, %arg9: memref<4x128x64xf32, #tpu.memory_space<vmem>>, %arg10: memref<10000x64xf32, #tpu.memory_space<vmem_shared>>, %arg11: memref<10048x64xf32, #tpu.memory_space<vmem_shared>>, %arg12: memref<!tpu.dma_semaphore, #tpu.memory_space<semaphore_mem>>, %arg13: memref<!tpu.dma_semaphore, #tpu.memory_space<semaphore_mem>>, %arg14: memref<!tpu.dma_semaphore, #tpu.memory_space<semaphore_mem>>, %arg15: memref<!tpu.dma_semaphore, #tpu.memory_space<semaphore_mem>>) attributes {dimension_semantics = [#tpu.dimension_semantics<core_parallel>, #tpu.dimension_semantics<subcore_parallel>], iteration_bounds = array<i64: 2, 16>, scalar_prefetch = 0 : i64, scratch_operands = 9 : i64, tpu.core_type = #tpu.core_type<sc_vector_subcore>, window_params = [{transform_indices = #map}, {transform_indices = #map}, {transform_indices = #map}, {transform_indices = #map}, {transform_indices = #map1}]} {
    %mul3A = arith.constant 2 : i32
    %mul3A_0 = arith.muli %arg1, %mul3A : i32
    %add3A = arith.addi %mul3A_0, %arg0 : i32
    %mul3A_1 = arith.constant 40 : i32
    %mul3A_2 = arith.muli %add3A, %mul3A_1 : i32
    %dma_start3A = arith.constant 0 : i32
    %dma_start3A_3 = tpu.memref_slice %arg3[%mul3A_2, %dma_start3A] : memref<1280x128xi32, #tpu.memory_space<hbm>> -> memref<40x128xi32, #tpu.memory_space<hbm>>
    %dma_start3A_4 = arith.constant 0 : i32
    %dma_start3A_5 = tpu.memref_slice %arg3[%mul3A_2, %dma_start3A_4] : memref<1280x128xi32, #tpu.memory_space<hbm>> -> memref<40x128xi32, #tpu.memory_space<hbm>>
    tpu.enqueue_dma source(%dma_start3A_5 : memref<40x128xi32, #tpu.memory_space<hbm>>) target(%arg7 : memref<40x128xi32, #tpu.memory_space<vmem>>) target_semaphore(%arg12 : memref<!tpu.dma_semaphore, #tpu.memory_space<semaphore_mem>>)
    %mul3A_6 = arith.constant 40 : i32
    %mul3A_7 = arith.muli %add3A, %mul3A_6 : i32
    %dma_start3A_8 = arith.constant 0 : i32
    %dma_start3A_9 = tpu.memref_slice %arg4[%mul3A_7, %dma_start3A_8] : memref<1280x128xi32, #tpu.memory_space<hbm>> -> memref<40x128xi32, #tpu.memory_space<hbm>>
    %dma_start3A_10 = arith.constant 0 : i32
    %dma_start3A_11 = tpu.memref_slice %arg4[%mul3A_7, %dma_start3A_10] : memref<1280x128xi32, #tpu.memory_space<hbm>> -> memref<40x128xi32, #tpu.memory_space<hbm>>
    tpu.enqueue_dma source(%dma_start3A_11 : memref<40x128xi32, #tpu.memory_space<hbm>>) target(%arg8 : memref<40x128xi32, #tpu.memory_space<vmem>>) target_semaphore(%arg13 : memref<!tpu.dma_semaphore, #tpu.memory_space<semaphore_mem>>)
    %mul3A_12 = arith.constant 628 : i32
    %mul3A_13 = arith.muli %arg1, %mul3A_12 : i32
    %mul3A_14 = arith.constant 628 : i32
    %mul3A_15 = arith.muli %arg1, %mul3A_14 : i32
    %dma_start3A_16 = arith.constant 0 : i32
    %dma_start3A_17 = tpu.memref_slice %arg11[%mul3A_15, %dma_start3A_16] : memref<10048x64xf32, #tpu.memory_space<vmem_shared>> -> memref<628x64xf32, #tpu.memory_space<vmem_shared>>
    %dma_start3A_18 = arith.constant 0 : i32
    %dma_start3A_19 = tpu.memref_slice %arg5[%mul3A_13, %dma_start3A_18] : memref<10048x64xf32, #tpu.memory_space<hbm>> -> memref<628x64xf32, #tpu.memory_space<hbm>>
    tpu.enqueue_dma source(%dma_start3A_19 : memref<628x64xf32, #tpu.memory_space<hbm>>) target(%dma_start3A_17 : memref<628x64xf32, #tpu.memory_space<vmem_shared>>) target_semaphore(%arg14 : memref<!tpu.dma_semaphore, #tpu.memory_space<semaphore_mem>>)
    %mul3A_20 = arith.constant 625 : i32
    %mul3A_21 = arith.muli %arg1, %mul3A_20 : i32
    %mul3A_22 = arith.constant 625 : i32
    %mul3A_23 = arith.muli %arg1, %mul3A_22 : i32
    %dma_start3A_24 = arith.constant 0 : i32
    %dma_start3A_25 = tpu.memref_slice %arg10[%mul3A_23, %dma_start3A_24] : memref<10000x64xf32, #tpu.memory_space<vmem_shared>> -> memref<625x64xf32, #tpu.memory_space<vmem_shared>>
    %dma_start3A_26 = arith.constant 0 : i32
    %dma_start3A_27 = tpu.memref_slice %arg2[%mul3A_21, %dma_start3A_26] : memref<10000x64xf32, #tpu.memory_space<hbm>> -> memref<625x64xf32, #tpu.memory_space<hbm>>
    tpu.enqueue_dma source(%dma_start3A_27 : memref<625x64xf32, #tpu.memory_space<hbm>>) target(%dma_start3A_25 : memref<625x64xf32, #tpu.memory_space<vmem_shared>>) target_semaphore(%arg15 : memref<!tpu.dma_semaphore, #tpu.memory_space<semaphore_mem>>)
    %mul3A_28 = arith.constant 40 : i32
    %mul3A_29 = arith.muli %add3A, %mul3A_28 : i32
    %dma_wait3A = arith.constant 0 : i32
    %dma_wait3A_30 = tpu.memref_slice %arg3[%mul3A_29, %dma_wait3A] : memref<1280x128xi32, #tpu.memory_space<hbm>> -> memref<40x128xi32, #tpu.memory_space<hbm>>
    %dma_wait3A_31 = arith.constant 0 : i32
    %dma_wait3A_32 = tpu.memref_slice %arg3[%mul3A_29, %dma_wait3A_31] : memref<1280x128xi32, #tpu.memory_space<hbm>> -> memref<40x128xi32, #tpu.memory_space<hbm>>
    tpu.wait_dma2 semaphore(%arg12 : memref<!tpu.dma_semaphore, #tpu.memory_space<semaphore_mem>>) src(%dma_wait3A_32 : memref<40x128xi32, #tpu.memory_space<hbm>>) dst(%arg7 : memref<40x128xi32, #tpu.memory_space<vmem>>)
    %mul3A_33 = arith.constant 40 : i32
    %mul3A_34 = arith.muli %add3A, %mul3A_33 : i32
    %dma_wait3A_35 = arith.constant 0 : i32
    %dma_wait3A_36 = tpu.memref_slice %arg4[%mul3A_34, %dma_wait3A_35] : memref<1280x128xi32, #tpu.memory_space<hbm>> -> memref<40x128xi32, #tpu.memory_space<hbm>>
    %dma_wait3A_37 = arith.constant 0 : i32
    %dma_wait3A_38 = tpu.memref_slice %arg4[%mul3A_34, %dma_wait3A_37] : memref<1280x128xi32, #tpu.memory_space<hbm>> -> memref<40x128xi32, #tpu.memory_space<hbm>>
    tpu.wait_dma2 semaphore(%arg13 : memref<!tpu.dma_semaphore, #tpu.memory_space<semaphore_mem>>) src(%dma_wait3A_38 : memref<40x128xi32, #tpu.memory_space<hbm>>) dst(%arg8 : memref<40x128xi32, #tpu.memory_space<vmem>>)
    %mul3A_39 = arith.constant 628 : i32
    %mul3A_40 = arith.muli %arg1, %mul3A_39 : i32
    %mul3A_41 = arith.constant 628 : i32
    %mul3A_42 = arith.muli %arg1, %mul3A_41 : i32
    %dma_wait3A_43 = arith.constant 0 : i32
    %dma_wait3A_44 = tpu.memref_slice %arg11[%mul3A_42, %dma_wait3A_43] : memref<10048x64xf32, #tpu.memory_space<vmem_shared>> -> memref<628x64xf32, #tpu.memory_space<vmem_shared>>
    %dma_wait3A_45 = arith.constant 0 : i32
    %dma_wait3A_46 = tpu.memref_slice %arg5[%mul3A_40, %dma_wait3A_45] : memref<10048x64xf32, #tpu.memory_space<hbm>> -> memref<628x64xf32, #tpu.memory_space<hbm>>
    tpu.wait_dma2 semaphore(%arg14 : memref<!tpu.dma_semaphore, #tpu.memory_space<semaphore_mem>>) src(%dma_wait3A_46 : memref<628x64xf32, #tpu.memory_space<hbm>>) dst(%dma_wait3A_44 : memref<628x64xf32, #tpu.memory_space<vmem_shared>>)
    %mul3A_47 = arith.constant 625 : i32
    %mul3A_48 = arith.muli %arg1, %mul3A_47 : i32
    %mul3A_49 = arith.constant 625 : i32
    %mul3A_50 = arith.muli %arg1, %mul3A_49 : i32
    %dma_wait3A_51 = arith.constant 0 : i32
    %dma_wait3A_52 = tpu.memref_slice %arg10[%mul3A_50, %dma_wait3A_51] : memref<10000x64xf32, #tpu.memory_space<vmem_shared>> -> memref<625x64xf32, #tpu.memory_space<vmem_shared>>
    %dma_wait3A_53 = arith.constant 0 : i32
    %dma_wait3A_54 = tpu.memref_slice %arg2[%mul3A_48, %dma_wait3A_53] : memref<10000x64xf32, #tpu.memory_space<hbm>> -> memref<625x64xf32, #tpu.memory_space<hbm>>
    tpu.wait_dma2 semaphore(%arg15 : memref<!tpu.dma_semaphore, #tpu.memory_space<semaphore_mem>>) src(%dma_wait3A_54 : memref<625x64xf32, #tpu.memory_space<hbm>>) dst(%dma_wait3A_52 : memref<625x64xf32, #tpu.memory_space<vmem_shared>>)
    %barrier3A = arith.constant 0 : index
    tpu.barrier barrier_id(%barrier3A)
    %dma_start3A_55 = arith.constant 0 : i32
    %dma_start3A_56 = arith.constant 0 : i32
    %dma_start3A_57 = arith.constant 0 : i32
    %dma_start3A_58 = arith.constant 0 : i32
    %dma_start3A_59 = tpu.memref_slice %arg9[%dma_start3A_56, %dma_start3A_57, %dma_start3A_58] : memref<4x128x64xf32, #tpu.memory_space<vmem>> -> memref<1x128x64xf32, #tpu.memory_space<vmem>>
    %dma_start3A_60 = tpu.memref_squeeze %dma_start3A_59 : memref<1x128x64xf32, #tpu.memory_space<vmem>> -> memref<128x64xf32, #tpu.memory_space<vmem>>
    %dma_start3A_61 = arith.constant 0 : i32
    %dma_start3A_62 = tpu.memref_slice %arg7[%dma_start3A_55, %dma_start3A_61] : memref<40x128xi32, #tpu.memory_space<vmem>> -> memref<1x128xi32, #tpu.memory_space<vmem>>
    %dma_start3A_63 = tpu.memref_squeeze %dma_start3A_62 : memref<1x128xi32, #tpu.memory_space<vmem>> -> memref<128xi32, #tpu.memory_space<vmem>>
    %dma_start3A_64 = arith.constant 0 : i32
    %dma_start3A_65 = arith.constant 0 : i32
    %dma_start3A_66 = tpu.memref_slice %arg10[%dma_start3A_64, %dma_start3A_65] : memref<10000x64xf32, #tpu.memory_space<vmem_shared>> -> memref<10000x64xf32, #tpu.memory_space<vmem_shared>>
    tpu.enqueue_indirect_dma source(%dma_start3A_66 : memref<10000x64xf32, #tpu.memory_space<vmem_shared>>) target(%dma_start3A_60 : memref<128x64xf32, #tpu.memory_space<vmem>>) offsets(%dma_start3A_63 : memref<128xi32, #tpu.memory_space<vmem>>) semaphore(%arg12 : memref<!tpu.dma_semaphore, #tpu.memory_space<semaphore_mem>>)
    %dma_start3A_67 = arith.constant 1 : i32
    %dma_start3A_68 = arith.constant 1 : i32
    %dma_start3A_69 = arith.constant 0 : i32
    %dma_start3A_70 = arith.constant 0 : i32
    %dma_start3A_71 = tpu.memref_slice %arg9[%dma_start3A_68, %dma_start3A_69, %dma_start3A_70] : memref<4x128x64xf32, #tpu.memory_space<vmem>> -> memref<1x128x64xf32, #tpu.memory_space<vmem>>
    %dma_start3A_72 = tpu.memref_squeeze %dma_start3A_71 : memref<1x128x64xf32, #tpu.memory_space<vmem>> -> memref<128x64xf32, #tpu.memory_space<vmem>>
    %dma_start3A_73 = arith.constant 0 : i32
    %dma_start3A_74 = tpu.memref_slice %arg7[%dma_start3A_67, %dma_start3A_73] : memref<40x128xi32, #tpu.memory_space<vmem>> -> memref<1x128xi32, #tpu.memory_space<vmem>>
    %dma_start3A_75 = tpu.memref_squeeze %dma_start3A_74 : memref<1x128xi32, #tpu.memory_space<vmem>> -> memref<128xi32, #tpu.memory_space<vmem>>
    %dma_start3A_76 = arith.constant 0 : i32
    %dma_start3A_77 = arith.constant 0 : i32
    %dma_start3A_78 = tpu.memref_slice %arg10[%dma_start3A_76, %dma_start3A_77] : memref<10000x64xf32, #tpu.memory_space<vmem_shared>> -> memref<10000x64xf32, #tpu.memory_space<vmem_shared>>
    tpu.enqueue_indirect_dma source(%dma_start3A_78 : memref<10000x64xf32, #tpu.memory_space<vmem_shared>>) target(%dma_start3A_72 : memref<128x64xf32, #tpu.memory_space<vmem>>) offsets(%dma_start3A_75 : memref<128xi32, #tpu.memory_space<vmem>>) semaphore(%arg13 : memref<!tpu.dma_semaphore, #tpu.memory_space<semaphore_mem>>)
    %dma_start3A_79 = arith.constant 2 : i32
    %dma_start3A_80 = arith.constant 2 : i32
    %dma_start3A_81 = arith.constant 0 : i32
    %dma_start3A_82 = arith.constant 0 : i32
    %dma_start3A_83 = tpu.memref_slice %arg9[%dma_start3A_80, %dma_start3A_81, %dma_start3A_82] : memref<4x128x64xf32, #tpu.memory_space<vmem>> -> memref<1x128x64xf32, #tpu.memory_space<vmem>>
    %dma_start3A_84 = tpu.memref_squeeze %dma_start3A_83 : memref<1x128x64xf32, #tpu.memory_space<vmem>> -> memref<128x64xf32, #tpu.memory_space<vmem>>
    %dma_start3A_85 = arith.constant 0 : i32
    %dma_start3A_86 = tpu.memref_slice %arg7[%dma_start3A_79, %dma_start3A_85] : memref<40x128xi32, #tpu.memory_space<vmem>> -> memref<1x128xi32, #tpu.memory_space<vmem>>
    %dma_start3A_87 = tpu.memref_squeeze %dma_start3A_86 : memref<1x128xi32, #tpu.memory_space<vmem>> -> memref<128xi32, #tpu.memory_space<vmem>>
    %dma_start3A_88 = arith.constant 0 : i32
    %dma_start3A_89 = arith.constant 0 : i32
    %dma_start3A_90 = tpu.memref_slice %arg10[%dma_start3A_88, %dma_start3A_89] : memref<10000x64xf32, #tpu.memory_space<vmem_shared>> -> memref<10000x64xf32, #tpu.memory_space<vmem_shared>>
    tpu.enqueue_indirect_dma source(%dma_start3A_90 : memref<10000x64xf32, #tpu.memory_space<vmem_shared>>) target(%dma_start3A_84 : memref<128x64xf32, #tpu.memory_space<vmem>>) offsets(%dma_start3A_87 : memref<128xi32, #tpu.memory_space<vmem>>) semaphore(%arg14 : memref<!tpu.dma_semaphore, #tpu.memory_space<semaphore_mem>>)
    %dma_start3A_91 = arith.constant 3 : i32
    %dma_start3A_92 = arith.constant 3 : i32
    %dma_start3A_93 = arith.constant 0 : i32
    %dma_start3A_94 = arith.constant 0 : i32
    %dma_start3A_95 = tpu.memref_slice %arg9[%dma_start3A_92, %dma_start3A_93, %dma_start3A_94] : memref<4x128x64xf32, #tpu.memory_space<vmem>> -> memref<1x128x64xf32, #tpu.memory_space<vmem>>
    %dma_start3A_96 = tpu.memref_squeeze %dma_start3A_95 : memref<1x128x64xf32, #tpu.memory_space<vmem>> -> memref<128x64xf32, #tpu.memory_space<vmem>>
    %dma_start3A_97 = arith.constant 0 : i32
    %dma_start3A_98 = tpu.memref_slice %arg7[%dma_start3A_91, %dma_start3A_97] : memref<40x128xi32, #tpu.memory_space<vmem>> -> memref<1x128xi32, #tpu.memory_space<vmem>>
    %dma_start3A_99 = tpu.memref_squeeze %dma_start3A_98 : memref<1x128xi32, #tpu.memory_space<vmem>> -> memref<128xi32, #tpu.memory_space<vmem>>
    %dma_start3A_100 = arith.constant 0 : i32
    %dma_start3A_101 = arith.constant 0 : i32
    %dma_start3A_102 = tpu.memref_slice %arg10[%dma_start3A_100, %dma_start3A_101] : memref<10000x64xf32, #tpu.memory_space<vmem_shared>> -> memref<10000x64xf32, #tpu.memory_space<vmem_shared>>
    tpu.enqueue_indirect_dma source(%dma_start3A_102 : memref<10000x64xf32, #tpu.memory_space<vmem_shared>>) target(%dma_start3A_96 : memref<128x64xf32, #tpu.memory_space<vmem>>) offsets(%dma_start3A_99 : memref<128xi32, #tpu.memory_space<vmem>>) semaphore(%arg15 : memref<!tpu.dma_semaphore, #tpu.memory_space<semaphore_mem>>)
    %scan3A = arith.constant 0 : i32
    %scan3A_103 = arith.constant 0 : i32
    %scan3A_104 = arith.constant 10 : i32
    %scan3A_105 = arith.addi %scan3A_103, %scan3A_104 : i32
    %scan3A_106 = arith.constant 1 : i32
    scf.for %scan3A_113 = %scan3A_103 to %scan3A_105 step %scan3A_106  : i32 {
      %mul3A_114 = arith.constant 4 : i32
      %mul3A_115 = arith.muli %scan3A_113, %mul3A_114 : i32
      %add3A_116 = arith.constant 0 : i32
      %add3A_117 = arith.addi %mul3A_115, %add3A_116 : i32
      %dma_wait3A_118 = arith.constant 0 : i32
      %dma_wait3A_119 = arith.constant 0 : i32
      %dma_wait3A_120 = arith.constant 0 : i32
      %dma_wait3A_121 = tpu.memref_slice %arg9[%dma_wait3A_118, %dma_wait3A_119, %dma_wait3A_120] : memref<4x128x64xf32, #tpu.memory_space<vmem>> -> memref<1x128x64xf32, #tpu.memory_space<vmem>>
      %dma_wait3A_122 = tpu.memref_squeeze %dma_wait3A_121 : memref<1x128x64xf32, #tpu.memory_space<vmem>> -> memref<128x64xf32, #tpu.memory_space<vmem>>
      %dma_wait3A_123 = arith.constant 0 : i32
      %dma_wait3A_124 = tpu.memref_slice %arg7[%add3A_117, %dma_wait3A_123] : memref<40x128xi32, #tpu.memory_space<vmem>> -> memref<1x128xi32, #tpu.memory_space<vmem>>
      %dma_wait3A_125 = tpu.memref_squeeze %dma_wait3A_124 : memref<1x128xi32, #tpu.memory_space<vmem>> -> memref<128xi32, #tpu.memory_space<vmem>>
      %dma_wait3A_126 = arith.constant 0 : i32
      %dma_wait3A_127 = arith.constant 0 : i32
      %dma_wait3A_128 = tpu.memref_slice %arg10[%dma_wait3A_126, %dma_wait3A_127] : memref<10000x64xf32, #tpu.memory_space<vmem_shared>> -> memref<10000x64xf32, #tpu.memory_space<vmem_shared>>
      tpu.wait_indirect_dma semaphore(%arg12 : memref<!tpu.dma_semaphore, #tpu.memory_space<semaphore_mem>>) src(%dma_wait3A_128 : memref<10000x64xf32, #tpu.memory_space<vmem_shared>>) dst(%dma_wait3A_122 : memref<128x64xf32, #tpu.memory_space<vmem>>)
      %run_scoped3A = arith.constant 0 : i32
      "tpu.region"() ({
        %run_scoped3A_202 = tpu.sem_alloc : memref<!tpu.dma_semaphore, #tpu.memory_space<semaphore_mem>>
        %dma_start3A_203 = arith.constant 0 : i32
        %dma_start3A_204 = arith.constant 0 : i32
        %dma_start3A_205 = tpu.memref_slice %arg9[%run_scoped3A, %dma_start3A_203, %dma_start3A_204] : memref<4x128x64xf32, #tpu.memory_space<vmem>> -> memref<1x128x64xf32, #tpu.memory_space<vmem>>
        %dma_start3A_206 = tpu.memref_squeeze %dma_start3A_205 : memref<1x128x64xf32, #tpu.memory_space<vmem>> -> memref<128x64xf32, #tpu.memory_space<vmem>>
        %dma_start3A_207 = arith.constant 0 : i32
        %dma_start3A_208 = tpu.memref_slice %arg8[%add3A_117, %dma_start3A_207] : memref<40x128xi32, #tpu.memory_space<vmem>> -> memref<1x128xi32, #tpu.memory_space<vmem>>
        %dma_start3A_209 = tpu.memref_squeeze %dma_start3A_208 : memref<1x128xi32, #tpu.memory_space<vmem>> -> memref<128xi32, #tpu.memory_space<vmem>>
        %dma_start3A_210 = arith.constant 0 : i32
        %dma_start3A_211 = arith.constant 0 : i32
        %dma_start3A_212 = tpu.memref_slice %arg11[%dma_start3A_210, %dma_start3A_211] : memref<10048x64xf32, #tpu.memory_space<vmem_shared>> -> memref<10048x64xf32, #tpu.memory_space<vmem_shared>>
        tpu.enqueue_indirect_dma source(%dma_start3A_206 : memref<128x64xf32, #tpu.memory_space<vmem>>) target(%dma_start3A_212 : memref<10048x64xf32, #tpu.memory_space<vmem_shared>>) offsets(%dma_start3A_209 : memref<128xi32, #tpu.memory_space<vmem>>) semaphore(%run_scoped3A_202 : memref<!tpu.dma_semaphore, #tpu.memory_space<semaphore_mem>>) {add = true}
        %dma_wait3A_213 = arith.constant 0 : i32
        %dma_wait3A_214 = arith.constant 0 : i32
        %dma_wait3A_215 = tpu.memref_slice %arg9[%run_scoped3A, %dma_wait3A_213, %dma_wait3A_214] : memref<4x128x64xf32, #tpu.memory_space<vmem>> -> memref<1x128x64xf32, #tpu.memory_space<vmem>>
        %dma_wait3A_216 = tpu.memref_squeeze %dma_wait3A_215 : memref<1x128x64xf32, #tpu.memory_space<vmem>> -> memref<128x64xf32, #tpu.memory_space<vmem>>
        %dma_wait3A_217 = arith.constant 0 : i32
        %dma_wait3A_218 = tpu.memref_slice %arg8[%add3A_117, %dma_wait3A_217] : memref<40x128xi32, #tpu.memory_space<vmem>> -> memref<1x128xi32, #tpu.memory_space<vmem>>
        %dma_wait3A_219 = tpu.memref_squeeze %dma_wait3A_218 : memref<1x128xi32, #tpu.memory_space<vmem>> -> memref<128xi32, #tpu.memory_space<vmem>>
        %dma_wait3A_220 = arith.constant 0 : i32
        %dma_wait3A_221 = arith.constant 0 : i32
        %dma_wait3A_222 = tpu.memref_slice %arg11[%dma_wait3A_220, %dma_wait3A_221] : memref<10048x64xf32, #tpu.memory_space<vmem_shared>> -> memref<10048x64xf32, #tpu.memory_space<vmem_shared>>
        tpu.wait_indirect_dma semaphore(%run_scoped3A_202 : memref<!tpu.dma_semaphore, #tpu.memory_space<semaphore_mem>>) src(%dma_wait3A_216 : memref<128x64xf32, #tpu.memory_space<vmem>>) dst(%dma_wait3A_222 : memref<10048x64xf32, #tpu.memory_space<vmem_shared>>)
        tpu.yield
      }) : () -> ()
      %add3A_129 = arith.constant 4 : i32
      %add3A_130 = arith.addi %add3A_117, %add3A_129 : i32
      %lt3A = arith.constant 40 : i32
      %lt3A_131 = arith.cmpi slt, %add3A_130, %lt3A : i32
      %convert_element_type3A = arith.extui %lt3A_131 : i1 to i32
      %cond3A = arith.constant 0 : i32
      %cond3A_132 = arith.cmpi ne, %convert_element_type3A, %cond3A : i32
      scf.if %cond3A_132 {
        %add3A_202 = arith.constant 4 : i32
        %add3A_203 = arith.addi %add3A_117, %add3A_202 : i32
        %dma_start3A_204 = arith.constant 0 : i32
        %dma_start3A_205 = arith.constant 0 : i32
        %dma_start3A_206 = arith.constant 0 : i32
        %dma_start3A_207 = tpu.memref_slice %arg9[%dma_start3A_204, %dma_start3A_205, %dma_start3A_206] : memref<4x128x64xf32, #tpu.memory_space<vmem>> -> memref<1x128x64xf32, #tpu.memory_space<vmem>>
        %dma_start3A_208 = tpu.memref_squeeze %dma_start3A_207 : memref<1x128x64xf32, #tpu.memory_space<vmem>> -> memref<128x64xf32, #tpu.memory_space<vmem>>
        %dma_start3A_209 = arith.constant 0 : i32
        %dma_start3A_210 = tpu.memref_slice %arg7[%add3A_203, %dma_start3A_209] : memref<40x128xi32, #tpu.memory_space<vmem>> -> memref<1x128xi32, #tpu.memory_space<vmem>>
        %dma_start3A_211 = tpu.memref_squeeze %dma_start3A_210 : memref<1x128xi32, #tpu.memory_space<vmem>> -> memref<128xi32, #tpu.memory_space<vmem>>
        %dma_start3A_212 = arith.constant 0 : i32
        %dma_start3A_213 = arith.constant 0 : i32
        %dma_start3A_214 = tpu.memref_slice %arg10[%dma_start3A_212, %dma_start3A_213] : memref<10000x64xf32, #tpu.memory_space<vmem_shared>> -> memref<10000x64xf32, #tpu.memory_space<vmem_shared>>
        tpu.enqueue_indirect_dma source(%dma_start3A_214 : memref<10000x64xf32, #tpu.memory_space<vmem_shared>>) target(%dma_start3A_208 : memref<128x64xf32, #tpu.memory_space<vmem>>) offsets(%dma_start3A_211 : memref<128xi32, #tpu.memory_space<vmem>>) semaphore(%arg12 : memref<!tpu.dma_semaphore, #tpu.memory_space<semaphore_mem>>)
      } else {
      }
      %mul3A_133 = arith.constant 4 : i32
      %mul3A_134 = arith.muli %scan3A_113, %mul3A_133 : i32
      %add3A_135 = arith.constant 1 : i32
      %add3A_136 = arith.addi %mul3A_134, %add3A_135 : i32
      %dma_wait3A_137 = arith.constant 1 : i32
      %dma_wait3A_138 = arith.constant 0 : i32
      %dma_wait3A_139 = arith.constant 0 : i32
      %dma_wait3A_140 = tpu.memref_slice %arg9[%dma_wait3A_137, %dma_wait3A_138, %dma_wait3A_139] : memref<4x128x64xf32, #tpu.memory_space<vmem>> -> memref<1x128x64xf32, #tpu.memory_space<vmem>>
      %dma_wait3A_141 = tpu.memref_squeeze %dma_wait3A_140 : memref<1x128x64xf32, #tpu.memory_space<vmem>> -> memref<128x64xf32, #tpu.memory_space<vmem>>
      %dma_wait3A_142 = arith.constant 0 : i32
      %dma_wait3A_143 = tpu.memref_slice %arg7[%add3A_136, %dma_wait3A_142] : memref<40x128xi32, #tpu.memory_space<vmem>> -> memref<1x128xi32, #tpu.memory_space<vmem>>
      %dma_wait3A_144 = tpu.memref_squeeze %dma_wait3A_143 : memref<1x128xi32, #tpu.memory_space<vmem>> -> memref<128xi32, #tpu.memory_space<vmem>>
      %dma_wait3A_145 = arith.constant 0 : i32
      %dma_wait3A_146 = arith.constant 0 : i32
      %dma_wait3A_147 = tpu.memref_slice %arg10[%dma_wait3A_145, %dma_wait3A_146] : memref<10000x64xf32, #tpu.memory_space<vmem_shared>> -> memref<10000x64xf32, #tpu.memory_space<vmem_shared>>
      tpu.wait_indirect_dma semaphore(%arg13 : memref<!tpu.dma_semaphore, #tpu.memory_space<semaphore_mem>>) src(%dma_wait3A_147 : memref<10000x64xf32, #tpu.memory_space<vmem_shared>>) dst(%dma_wait3A_141 : memref<128x64xf32, #tpu.memory_space<vmem>>)
      %run_scoped3A_148 = arith.constant 1 : i32
      "tpu.region"() ({
        %run_scoped3A_202 = tpu.sem_alloc : memref<!tpu.dma_semaphore, #tpu.memory_space<semaphore_mem>>
        %dma_start3A_203 = arith.constant 0 : i32
        %dma_start3A_204 = arith.constant 0 : i32
        %dma_start3A_205 = tpu.memref_slice %arg9[%run_scoped3A_148, %dma_start3A_203, %dma_start3A_204] : memref<4x128x64xf32, #tpu.memory_space<vmem>> -> memref<1x128x64xf32, #tpu.memory_space<vmem>>
        %dma_start3A_206 = tpu.memref_squeeze %dma_start3A_205 : memref<1x128x64xf32, #tpu.memory_space<vmem>> -> memref<128x64xf32, #tpu.memory_space<vmem>>
        %dma_start3A_207 = arith.constant 0 : i32
        %dma_start3A_208 = tpu.memref_slice %arg8[%add3A_136, %dma_start3A_207] : memref<40x128xi32, #tpu.memory_space<vmem>> -> memref<1x128xi32, #tpu.memory_space<vmem>>
        %dma_start3A_209 = tpu.memref_squeeze %dma_start3A_208 : memref<1x128xi32, #tpu.memory_space<vmem>> -> memref<128xi32, #tpu.memory_space<vmem>>
        %dma_start3A_210 = arith.constant 0 : i32
        %dma_start3A_211 = arith.constant 0 : i32
        %dma_start3A_212 = tpu.memref_slice %arg11[%dma_start3A_210, %dma_start3A_211] : memref<10048x64xf32, #tpu.memory_space<vmem_shared>> -> memref<10048x64xf32, #tpu.memory_space<vmem_shared>>
        tpu.enqueue_indirect_dma source(%dma_start3A_206 : memref<128x64xf32, #tpu.memory_space<vmem>>) target(%dma_start3A_212 : memref<10048x64xf32, #tpu.memory_space<vmem_shared>>) offsets(%dma_start3A_209 : memref<128xi32, #tpu.memory_space<vmem>>) semaphore(%run_scoped3A_202 : memref<!tpu.dma_semaphore, #tpu.memory_space<semaphore_mem>>) {add = true}
        %dma_wait3A_213 = arith.constant 0 : i32
        %dma_wait3A_214 = arith.constant 0 : i32
        %dma_wait3A_215 = tpu.memref_slice %arg9[%run_scoped3A_148, %dma_wait3A_213, %dma_wait3A_214] : memref<4x128x64xf32, #tpu.memory_space<vmem>> -> memref<1x128x64xf32, #tpu.memory_space<vmem>>
        %dma_wait3A_216 = tpu.memref_squeeze %dma_wait3A_215 : memref<1x128x64xf32, #tpu.memory_space<vmem>> -> memref<128x64xf32, #tpu.memory_space<vmem>>
        %dma_wait3A_217 = arith.constant 0 : i32
        %dma_wait3A_218 = tpu.memref_slice %arg8[%add3A_136, %dma_wait3A_217] : memref<40x128xi32, #tpu.memory_space<vmem>> -> memref<1x128xi32, #tpu.memory_space<vmem>>
        %dma_wait3A_219 = tpu.memref_squeeze %dma_wait3A_218 : memref<1x128xi32, #tpu.memory_space<vmem>> -> memref<128xi32, #tpu.memory_space<vmem>>
        %dma_wait3A_220 = arith.constant 0 : i32
        %dma_wait3A_221 = arith.constant 0 : i32
        %dma_wait3A_222 = tpu.memref_slice %arg11[%dma_wait3A_220, %dma_wait3A_221] : memref<10048x64xf32, #tpu.memory_space<vmem_shared>> -> memref<10048x64xf32, #tpu.memory_space<vmem_shared>>
        tpu.wait_indirect_dma semaphore(%run_scoped3A_202 : memref<!tpu.dma_semaphore, #tpu.memory_space<semaphore_mem>>) src(%dma_wait3A_216 : memref<128x64xf32, #tpu.memory_space<vmem>>) dst(%dma_wait3A_222 : memref<10048x64xf32, #tpu.memory_space<vmem_shared>>)
        tpu.yield
      }) : () -> ()
      %add3A_149 = arith.constant 4 : i32
      %add3A_150 = arith.addi %add3A_136, %add3A_149 : i32
      %lt3A_151 = arith.constant 40 : i32
      %lt3A_152 = arith.cmpi slt, %add3A_150, %lt3A_151 : i32
      %convert_element_type3A_153 = arith.extui %lt3A_152 : i1 to i32
      %cond3A_154 = arith.constant 0 : i32
      %cond3A_155 = arith.cmpi ne, %convert_element_type3A_153, %cond3A_154 : i32
      scf.if %cond3A_155 {
        %add3A_202 = arith.constant 4 : i32
        %add3A_203 = arith.addi %add3A_136, %add3A_202 : i32
        %dma_start3A_204 = arith.constant 1 : i32
        %dma_start3A_205 = arith.constant 0 : i32
        %dma_start3A_206 = arith.constant 0 : i32
        %dma_start3A_207 = tpu.memref_slice %arg9[%dma_start3A_204, %dma_start3A_205, %dma_start3A_206] : memref<4x128x64xf32, #tpu.memory_space<vmem>> -> memref<1x128x64xf32, #tpu.memory_space<vmem>>
        %dma_start3A_208 = tpu.memref_squeeze %dma_start3A_207 : memref<1x128x64xf32, #tpu.memory_space<vmem>> -> memref<128x64xf32, #tpu.memory_space<vmem>>
        %dma_start3A_209 = arith.constant 0 : i32
        %dma_start3A_210 = tpu.memref_slice %arg7[%add3A_203, %dma_start3A_209] : memref<40x128xi32, #tpu.memory_space<vmem>> -> memref<1x128xi32, #tpu.memory_space<vmem>>
        %dma_start3A_211 = tpu.memref_squeeze %dma_start3A_210 : memref<1x128xi32, #tpu.memory_space<vmem>> -> memref<128xi32, #tpu.memory_space<vmem>>
        %dma_start3A_212 = arith.constant 0 : i32
        %dma_start3A_213 = arith.constant 0 : i32
        %dma_start3A_214 = tpu.memref_slice %arg10[%dma_start3A_212, %dma_start3A_213] : memref<10000x64xf32, #tpu.memory_space<vmem_shared>> -> memref<10000x64xf32, #tpu.memory_space<vmem_shared>>
        tpu.enqueue_indirect_dma source(%dma_start3A_214 : memref<10000x64xf32, #tpu.memory_space<vmem_shared>>) target(%dma_start3A_208 : memref<128x64xf32, #tpu.memory_space<vmem>>) offsets(%dma_start3A_211 : memref<128xi32, #tpu.memory_space<vmem>>) semaphore(%arg13 : memref<!tpu.dma_semaphore, #tpu.memory_space<semaphore_mem>>)
      } else {
      }
      %mul3A_156 = arith.constant 4 : i32
      %mul3A_157 = arith.muli %scan3A_113, %mul3A_156 : i32
      %add3A_158 = arith.constant 2 : i32
      %add3A_159 = arith.addi %mul3A_157, %add3A_158 : i32
      %dma_wait3A_160 = arith.constant 2 : i32
      %dma_wait3A_161 = arith.constant 0 : i32
      %dma_wait3A_162 = arith.constant 0 : i32
      %dma_wait3A_163 = tpu.memref_slice %arg9[%dma_wait3A_160, %dma_wait3A_161, %dma_wait3A_162] : memref<4x128x64xf32, #tpu.memory_space<vmem>> -> memref<1x128x64xf32, #tpu.memory_space<vmem>>
      %dma_wait3A_164 = tpu.memref_squeeze %dma_wait3A_163 : memref<1x128x64xf32, #tpu.memory_space<vmem>> -> memref<128x64xf32, #tpu.memory_space<vmem>>
      %dma_wait3A_165 = arith.constant 0 : i32
      %dma_wait3A_166 = tpu.memref_slice %arg7[%add3A_159, %dma_wait3A_165] : memref<40x128xi32, #tpu.memory_space<vmem>> -> memref<1x128xi32, #tpu.memory_space<vmem>>
      %dma_wait3A_167 = tpu.memref_squeeze %dma_wait3A_166 : memref<1x128xi32, #tpu.memory_space<vmem>> -> memref<128xi32, #tpu.memory_space<vmem>>
      %dma_wait3A_168 = arith.constant 0 : i32
      %dma_wait3A_169 = arith.constant 0 : i32
      %dma_wait3A_170 = tpu.memref_slice %arg10[%dma_wait3A_168, %dma_wait3A_169] : memref<10000x64xf32, #tpu.memory_space<vmem_shared>> -> memref<10000x64xf32, #tpu.memory_space<vmem_shared>>
      tpu.wait_indirect_dma semaphore(%arg14 : memref<!tpu.dma_semaphore, #tpu.memory_space<semaphore_mem>>) src(%dma_wait3A_170 : memref<10000x64xf32, #tpu.memory_space<vmem_shared>>) dst(%dma_wait3A_164 : memref<128x64xf32, #tpu.memory_space<vmem>>)
      %run_scoped3A_171 = arith.constant 2 : i32
      "tpu.region"() ({
        %run_scoped3A_202 = tpu.sem_alloc : memref<!tpu.dma_semaphore, #tpu.memory_space<semaphore_mem>>
        %dma_start3A_203 = arith.constant 0 : i32
        %dma_start3A_204 = arith.constant 0 : i32
        %dma_start3A_205 = tpu.memref_slice %arg9[%run_scoped3A_171, %dma_start3A_203, %dma_start3A_204] : memref<4x128x64xf32, #tpu.memory_space<vmem>> -> memref<1x128x64xf32, #tpu.memory_space<vmem>>
        %dma_start3A_206 = tpu.memref_squeeze %dma_start3A_205 : memref<1x128x64xf32, #tpu.memory_space<vmem>> -> memref<128x64xf32, #tpu.memory_space<vmem>>
        %dma_start3A_207 = arith.constant 0 : i32
        %dma_start3A_208 = tpu.memref_slice %arg8[%add3A_159, %dma_start3A_207] : memref<40x128xi32, #tpu.memory_space<vmem>> -> memref<1x128xi32, #tpu.memory_space<vmem>>
        %dma_start3A_209 = tpu.memref_squeeze %dma_start3A_208 : memref<1x128xi32, #tpu.memory_space<vmem>> -> memref<128xi32, #tpu.memory_space<vmem>>
        %dma_start3A_210 = arith.constant 0 : i32
        %dma_start3A_211 = arith.constant 0 : i32
        %dma_start3A_212 = tpu.memref_slice %arg11[%dma_start3A_210, %dma_start3A_211] : memref<10048x64xf32, #tpu.memory_space<vmem_shared>> -> memref<10048x64xf32, #tpu.memory_space<vmem_shared>>
        tpu.enqueue_indirect_dma source(%dma_start3A_206 : memref<128x64xf32, #tpu.memory_space<vmem>>) target(%dma_start3A_212 : memref<10048x64xf32, #tpu.memory_space<vmem_shared>>) offsets(%dma_start3A_209 : memref<128xi32, #tpu.memory_space<vmem>>) semaphore(%run_scoped3A_202 : memref<!tpu.dma_semaphore, #tpu.memory_space<semaphore_mem>>) {add = true}
        %dma_wait3A_213 = arith.constant 0 : i32
        %dma_wait3A_214 = arith.constant 0 : i32
        %dma_wait3A_215 = tpu.memref_slice %arg9[%run_scoped3A_171, %dma_wait3A_213, %dma_wait3A_214] : memref<4x128x64xf32, #tpu.memory_space<vmem>> -> memref<1x128x64xf32, #tpu.memory_space<vmem>>
        %dma_wait3A_216 = tpu.memref_squeeze %dma_wait3A_215 : memref<1x128x64xf32, #tpu.memory_space<vmem>> -> memref<128x64xf32, #tpu.memory_space<vmem>>
        %dma_wait3A_217 = arith.constant 0 : i32
        %dma_wait3A_218 = tpu.memref_slice %arg8[%add3A_159, %dma_wait3A_217] : memref<40x128xi32, #tpu.memory_space<vmem>> -> memref<1x128xi32, #tpu.memory_space<vmem>>
        %dma_wait3A_219 = tpu.memref_squeeze %dma_wait3A_218 : memref<1x128xi32, #tpu.memory_space<vmem>> -> memref<128xi32, #tpu.memory_space<vmem>>
        %dma_wait3A_220 = arith.constant 0 : i32
        %dma_wait3A_221 = arith.constant 0 : i32
        %dma_wait3A_222 = tpu.memref_slice %arg11[%dma_wait3A_220, %dma_wait3A_221] : memref<10048x64xf32, #tpu.memory_space<vmem_shared>> -> memref<10048x64xf32, #tpu.memory_space<vmem_shared>>
        tpu.wait_indirect_dma semaphore(%run_scoped3A_202 : memref<!tpu.dma_semaphore, #tpu.memory_space<semaphore_mem>>) src(%dma_wait3A_216 : memref<128x64xf32, #tpu.memory_space<vmem>>) dst(%dma_wait3A_222 : memref<10048x64xf32, #tpu.memory_space<vmem_shared>>)
        tpu.yield
      }) : () -> ()
      %add3A_172 = arith.constant 4 : i32
      %add3A_173 = arith.addi %add3A_159, %add3A_172 : i32
      %lt3A_174 = arith.constant 40 : i32
      %lt3A_175 = arith.cmpi slt, %add3A_173, %lt3A_174 : i32
      %convert_element_type3A_176 = arith.extui %lt3A_175 : i1 to i32
      %cond3A_177 = arith.constant 0 : i32
      %cond3A_178 = arith.cmpi ne, %convert_element_type3A_176, %cond3A_177 : i32
      scf.if %cond3A_178 {
        %add3A_202 = arith.constant 4 : i32
        %add3A_203 = arith.addi %add3A_159, %add3A_202 : i32
        %dma_start3A_204 = arith.constant 2 : i32
        %dma_start3A_205 = arith.constant 0 : i32
        %dma_start3A_206 = arith.constant 0 : i32
        %dma_start3A_207 = tpu.memref_slice %arg9[%dma_start3A_204, %dma_start3A_205, %dma_start3A_206] : memref<4x128x64xf32, #tpu.memory_space<vmem>> -> memref<1x128x64xf32, #tpu.memory_space<vmem>>
        %dma_start3A_208 = tpu.memref_squeeze %dma_start3A_207 : memref<1x128x64xf32, #tpu.memory_space<vmem>> -> memref<128x64xf32, #tpu.memory_space<vmem>>
        %dma_start3A_209 = arith.constant 0 : i32
        %dma_start3A_210 = tpu.memref_slice %arg7[%add3A_203, %dma_start3A_209] : memref<40x128xi32, #tpu.memory_space<vmem>> -> memref<1x128xi32, #tpu.memory_space<vmem>>
        %dma_start3A_211 = tpu.memref_squeeze %dma_start3A_210 : memref<1x128xi32, #tpu.memory_space<vmem>> -> memref<128xi32, #tpu.memory_space<vmem>>
        %dma_start3A_212 = arith.constant 0 : i32
        %dma_start3A_213 = arith.constant 0 : i32
        %dma_start3A_214 = tpu.memref_slice %arg10[%dma_start3A_212, %dma_start3A_213] : memref<10000x64xf32, #tpu.memory_space<vmem_shared>> -> memref<10000x64xf32, #tpu.memory_space<vmem_shared>>
        tpu.enqueue_indirect_dma source(%dma_start3A_214 : memref<10000x64xf32, #tpu.memory_space<vmem_shared>>) target(%dma_start3A_208 : memref<128x64xf32, #tpu.memory_space<vmem>>) offsets(%dma_start3A_211 : memref<128xi32, #tpu.memory_space<vmem>>) semaphore(%arg14 : memref<!tpu.dma_semaphore, #tpu.memory_space<semaphore_mem>>)
      } else {
      }
      %mul3A_179 = arith.constant 4 : i32
      %mul3A_180 = arith.muli %scan3A_113, %mul3A_179 : i32
      %add3A_181 = arith.constant 3 : i32
      %add3A_182 = arith.addi %mul3A_180, %add3A_181 : i32
      %dma_wait3A_183 = arith.constant 3 : i32
      %dma_wait3A_184 = arith.constant 0 : i32
      %dma_wait3A_185 = arith.constant 0 : i32
      %dma_wait3A_186 = tpu.memref_slice %arg9[%dma_wait3A_183, %dma_wait3A_184, %dma_wait3A_185] : memref<4x128x64xf32, #tpu.memory_space<vmem>> -> memref<1x128x64xf32, #tpu.memory_space<vmem>>
      %dma_wait3A_187 = tpu.memref_squeeze %dma_wait3A_186 : memref<1x128x64xf32, #tpu.memory_space<vmem>> -> memref<128x64xf32, #tpu.memory_space<vmem>>
      %dma_wait3A_188 = arith.constant 0 : i32
      %dma_wait3A_189 = tpu.memref_slice %arg7[%add3A_182, %dma_wait3A_188] : memref<40x128xi32, #tpu.memory_space<vmem>> -> memref<1x128xi32, #tpu.memory_space<vmem>>
      %dma_wait3A_190 = tpu.memref_squeeze %dma_wait3A_189 : memref<1x128xi32, #tpu.memory_space<vmem>> -> memref<128xi32, #tpu.memory_space<vmem>>
      %dma_wait3A_191 = arith.constant 0 : i32
      %dma_wait3A_192 = arith.constant 0 : i32
      %dma_wait3A_193 = tpu.memref_slice %arg10[%dma_wait3A_191, %dma_wait3A_192] : memref<10000x64xf32, #tpu.memory_space<vmem_shared>> -> memref<10000x64xf32, #tpu.memory_space<vmem_shared>>
      tpu.wait_indirect_dma semaphore(%arg15 : memref<!tpu.dma_semaphore, #tpu.memory_space<semaphore_mem>>) src(%dma_wait3A_193 : memref<10000x64xf32, #tpu.memory_space<vmem_shared>>) dst(%dma_wait3A_187 : memref<128x64xf32, #tpu.memory_space<vmem>>)
      %run_scoped3A_194 = arith.constant 3 : i32
      "tpu.region"() ({
        %run_scoped3A_202 = tpu.sem_alloc : memref<!tpu.dma_semaphore, #tpu.memory_space<semaphore_mem>>
        %dma_start3A_203 = arith.constant 0 : i32
        %dma_start3A_204 = arith.constant 0 : i32
        %dma_start3A_205 = tpu.memref_slice %arg9[%run_scoped3A_194, %dma_start3A_203, %dma_start3A_204] : memref<4x128x64xf32, #tpu.memory_space<vmem>> -> memref<1x128x64xf32, #tpu.memory_space<vmem>>
        %dma_start3A_206 = tpu.memref_squeeze %dma_start3A_205 : memref<1x128x64xf32, #tpu.memory_space<vmem>> -> memref<128x64xf32, #tpu.memory_space<vmem>>
        %dma_start3A_207 = arith.constant 0 : i32
        %dma_start3A_208 = tpu.memref_slice %arg8[%add3A_182, %dma_start3A_207] : memref<40x128xi32, #tpu.memory_space<vmem>> -> memref<1x128xi32, #tpu.memory_space<vmem>>
        %dma_start3A_209 = tpu.memref_squeeze %dma_start3A_208 : memref<1x128xi32, #tpu.memory_space<vmem>> -> memref<128xi32, #tpu.memory_space<vmem>>
        %dma_start3A_210 = arith.constant 0 : i32
        %dma_start3A_211 = arith.constant 0 : i32
        %dma_start3A_212 = tpu.memref_slice %arg11[%dma_start3A_210, %dma_start3A_211] : memref<10048x64xf32, #tpu.memory_space<vmem_shared>> -> memref<10048x64xf32, #tpu.memory_space<vmem_shared>>
        tpu.enqueue_indirect_dma source(%dma_start3A_206 : memref<128x64xf32, #tpu.memory_space<vmem>>) target(%dma_start3A_212 : memref<10048x64xf32, #tpu.memory_space<vmem_shared>>) offsets(%dma_start3A_209 : memref<128xi32, #tpu.memory_space<vmem>>) semaphore(%run_scoped3A_202 : memref<!tpu.dma_semaphore, #tpu.memory_space<semaphore_mem>>) {add = true}
        %dma_wait3A_213 = arith.constant 0 : i32
        %dma_wait3A_214 = arith.constant 0 : i32
        %dma_wait3A_215 = tpu.memref_slice %arg9[%run_scoped3A_194, %dma_wait3A_213, %dma_wait3A_214] : memref<4x128x64xf32, #tpu.memory_space<vmem>> -> memref<1x128x64xf32, #tpu.memory_space<vmem>>
        %dma_wait3A_216 = tpu.memref_squeeze %dma_wait3A_215 : memref<1x128x64xf32, #tpu.memory_space<vmem>> -> memref<128x64xf32, #tpu.memory_space<vmem>>
        %dma_wait3A_217 = arith.constant 0 : i32
        %dma_wait3A_218 = tpu.memref_slice %arg8[%add3A_182, %dma_wait3A_217] : memref<40x128xi32, #tpu.memory_space<vmem>> -> memref<1x128xi32, #tpu.memory_space<vmem>>
        %dma_wait3A_219 = tpu.memref_squeeze %dma_wait3A_218 : memref<1x128xi32, #tpu.memory_space<vmem>> -> memref<128xi32, #tpu.memory_space<vmem>>
        %dma_wait3A_220 = arith.constant 0 : i32
        %dma_wait3A_221 = arith.constant 0 : i32
        %dma_wait3A_222 = tpu.memref_slice %arg11[%dma_wait3A_220, %dma_wait3A_221] : memref<10048x64xf32, #tpu.memory_space<vmem_shared>> -> memref<10048x64xf32, #tpu.memory_space<vmem_shared>>
        tpu.wait_indirect_dma semaphore(%run_scoped3A_202 : memref<!tpu.dma_semaphore, #tpu.memory_space<semaphore_mem>>) src(%dma_wait3A_216 : memref<128x64xf32, #tpu.memory_space<vmem>>) dst(%dma_wait3A_222 : memref<10048x64xf32, #tpu.memory_space<vmem_shared>>)
        tpu.yield
      }) : () -> ()
      %add3A_195 = arith.constant 4 : i32
      %add3A_196 = arith.addi %add3A_182, %add3A_195 : i32
      %lt3A_197 = arith.constant 40 : i32
      %lt3A_198 = arith.cmpi slt, %add3A_196, %lt3A_197 : i32
      %convert_element_type3A_199 = arith.extui %lt3A_198 : i1 to i32
      %cond3A_200 = arith.constant 0 : i32
      %cond3A_201 = arith.cmpi ne, %convert_element_type3A_199, %cond3A_200 : i32
      scf.if %cond3A_201 {
        %add3A_202 = arith.constant 4 : i32
        %add3A_203 = arith.addi %add3A_182, %add3A_202 : i32
        %dma_start3A_204 = arith.constant 3 : i32
        %dma_start3A_205 = arith.constant 0 : i32
        %dma_start3A_206 = arith.constant 0 : i32
        %dma_start3A_207 = tpu.memref_slice %arg9[%dma_start3A_204, %dma_start3A_205, %dma_start3A_206] : memref<4x128x64xf32, #tpu.memory_space<vmem>> -> memref<1x128x64xf32, #tpu.memory_space<vmem>>
        %dma_start3A_208 = tpu.memref_squeeze %dma_start3A_207 : memref<1x128x64xf32, #tpu.memory_space<vmem>> -> memref<128x64xf32, #tpu.memory_space<vmem>>
        %dma_start3A_209 = arith.constant 0 : i32
        %dma_start3A_210 = tpu.memref_slice %arg7[%add3A_203, %dma_start3A_209] : memref<40x128xi32, #tpu.memory_space<vmem>> -> memref<1x128xi32, #tpu.memory_space<vmem>>
        %dma_start3A_211 = tpu.memref_squeeze %dma_start3A_210 : memref<1x128xi32, #tpu.memory_space<vmem>> -> memref<128xi32, #tpu.memory_space<vmem>>
        %dma_start3A_212 = arith.constant 0 : i32
        %dma_start3A_213 = arith.constant 0 : i32
        %dma_start3A_214 = tpu.memref_slice %arg10[%dma_start3A_212, %dma_start3A_213] : memref<10000x64xf32, #tpu.memory_space<vmem_shared>> -> memref<10000x64xf32, #tpu.memory_space<vmem_shared>>
        tpu.enqueue_indirect_dma source(%dma_start3A_214 : memref<10000x64xf32, #tpu.memory_space<vmem_shared>>) target(%dma_start3A_208 : memref<128x64xf32, #tpu.memory_space<vmem>>) offsets(%dma_start3A_211 : memref<128xi32, #tpu.memory_space<vmem>>) semaphore(%arg15 : memref<!tpu.dma_semaphore, #tpu.memory_space<semaphore_mem>>)
      } else {
      }
    }
    %scan3A_107 = arith.constant 10 : i32
    %barrier3A_108 = arith.constant 0 : index
    tpu.barrier barrier_id(%barrier3A_108)
    %mul3A_109 = arith.constant 628 : i32
    %mul3A_110 = arith.muli %arg1, %mul3A_109 : i32
    %mul3A_111 = arith.constant 628 : i32
    %mul3A_112 = arith.muli %arg1, %mul3A_111 : i32
    "tpu.region"() ({
      %run_scoped3A = tpu.sem_alloc : memref<!tpu.dma_semaphore, #tpu.memory_space<semaphore_mem>>
      %dma_start3A_113 = arith.constant 0 : i32
      %dma_start3A_114 = tpu.memref_slice %arg6[%arg0, %mul3A_112, %dma_start3A_113] : memref<2x10048x64xf32, #tpu.memory_space<hbm>> -> memref<1x628x64xf32, #tpu.memory_space<hbm>>
      %dma_start3A_115 = tpu.memref_squeeze %dma_start3A_114 : memref<1x628x64xf32, #tpu.memory_space<hbm>> -> memref<628x64xf32, #tpu.memory_space<hbm>>
      %dma_start3A_116 = arith.constant 0 : i32
      %dma_start3A_117 = tpu.memref_slice %arg11[%mul3A_110, %dma_start3A_116] : memref<10048x64xf32, #tpu.memory_space<vmem_shared>> -> memref<628x64xf32, #tpu.memory_space<vmem_shared>>
      tpu.enqueue_dma source(%dma_start3A_117 : memref<628x64xf32, #tpu.memory_space<vmem_shared>>) target(%dma_start3A_115 : memref<628x64xf32, #tpu.memory_space<hbm>>) target_semaphore(%run_scoped3A : memref<!tpu.dma_semaphore, #tpu.memory_space<semaphore_mem>>)
      %dma_wait3A_118 = arith.constant 0 : i32
      %dma_wait3A_119 = tpu.memref_slice %arg6[%arg0, %mul3A_112, %dma_wait3A_118] : memref<2x10048x64xf32, #tpu.memory_space<hbm>> -> memref<1x628x64xf32, #tpu.memory_space<hbm>>
      %dma_wait3A_120 = tpu.memref_squeeze %dma_wait3A_119 : memref<1x628x64xf32, #tpu.memory_space<hbm>> -> memref<628x64xf32, #tpu.memory_space<hbm>>
      %dma_wait3A_121 = arith.constant 0 : i32
      %dma_wait3A_122 = tpu.memref_slice %arg11[%mul3A_110, %dma_wait3A_121] : memref<10048x64xf32, #tpu.memory_space<vmem_shared>> -> memref<628x64xf32, #tpu.memory_space<vmem_shared>>
      tpu.wait_dma2 semaphore(%run_scoped3A : memref<!tpu.dma_semaphore, #tpu.memory_space<semaphore_mem>>) src(%dma_wait3A_122 : memref<628x64xf32, #tpu.memory_space<vmem_shared>>) dst(%dma_wait3A_120 : memref<628x64xf32, #tpu.memory_space<hbm>>)
      tpu.yield
    }) : () -> ()
    return
  }
}

module attributes {stable_mosaic.version = 14 : i64} {
  func.func @_tc1_body(%arg0: i32, %arg1: memref<2000x256xf32, #tpu.memory_space<vmem>>, %arg2: memref<256x128xf32, #tpu.memory_space<vmem>>, %arg3: memref<1x2000x8xf32, #tpu.memory_space<vmem>>, %arg4: memref<1x2000x8xf32, #tpu.memory_space<vmem>>, %arg5: memref<2000x64xf32, #tpu.memory_space<vmem>>, %arg6: memref<2000x64xf32, #tpu.memory_space<vmem>>) attributes {dimension_semantics = [#tpu.dimension_semantics<arbitrary>], iteration_bounds = array<i64: 5>, scalar_prefetch = 0 : i64, scratch_operands = 0 : i64, tpu.core_type = #tpu.core_type<tc>, window_params = [{transform_indices = @transform_0, window_bounds = array<i64: 2000, 256>}, {pipeline_mode = #tpu.pipeline_mode<synchronous>, transform_indices = @transform_1, window_bounds = array<i64: 256, 128>}, {transform_indices = @transform_2, window_bounds = array<i64: 1, 2000, 8>}, {transform_indices = @transform_3, window_bounds = array<i64: 1, 2000, 8>}, {transform_indices = @transform_4, window_bounds = array<i64: 2000, 64>}, {transform_indices = @transform_5, window_bounds = array<i64: 2000, 64>}]} {
    %get3A = arith.constant 0 : index
    %get3A_0 = arith.constant 0 : index
    %get3A_1 = vector.load %arg1[%get3A, %get3A_0] : memref<2000x256xf32, #tpu.memory_space<vmem>>, vector<2000x256xf32>
    %get3A_2 = arith.constant 0 : index
    %get3A_3 = arith.constant 0 : index
    %get3A_4 = vector.load %arg2[%get3A_2, %get3A_3] : memref<256x128xf32, #tpu.memory_space<vmem>>, vector<256x128xf32>
    %dot_general3A = arith.constant dense<0.000000e+00> : vector<2000x128xf32>
    %dot_general3A_5 = tpu.matmul %get3A_1, %get3A_4, %dot_general3A {dimension_numbers = #tpu.dot_dimension_numbers<[1], [0], [0], [1], [0, 0, 1, 1], [], []>, transpose_lhs_hint = false} : vector<2000x256xf32>, vector<256x128xf32>, vector<2000x128xf32> -> vector<2000x128xf32>
    %get3A_6 = arith.constant 0 : index
    %get3A_7 = arith.constant 0 : index
    %get3A_8 = arith.constant 0 : index
    %get3A_9 = vector.load %arg3[%get3A_6, %get3A_7, %get3A_8] : memref<1x2000x8xf32, #tpu.memory_space<vmem>>, vector<1x2000x1xf32>
    %get3A_10 = vector.shape_cast %get3A_9 : vector<1x2000x1xf32> to vector<2000x1xf32>
    %get3A_11 = arith.constant 0 : index
    %get3A_12 = arith.constant 0 : index
    %get3A_13 = arith.constant 0 : index
    %get3A_14 = vector.load %arg4[%get3A_11, %get3A_12, %get3A_13] : memref<1x2000x8xf32, #tpu.memory_space<vmem>>, vector<1x2000x1xf32>
    %get3A_15 = vector.shape_cast %get3A_14 : vector<1x2000x1xf32> to vector<2000x1xf32>
    %add3A = arith.addf %get3A_10, %get3A_15 : vector<2000x1xf32>
    %add3A_16 = arith.constant 1.000000e+00 : f32
    %add3A_17 = vector.broadcast %add3A_16 : f32 to vector<2000x1xf32>
    %add3A_18 = arith.addf %add3A, %add3A_17 : vector<2000x1xf32>
    %rsqrt3A = math.rsqrt %add3A_18 : vector<2000x1xf32>
    %mul3A = vector.broadcast %rsqrt3A : vector<2000x1xf32> to vector<2000x128xf32>
    %mul3A_19 = arith.mulf %dot_general3A_5, %mul3A : vector<2000x128xf32>
    %slice3A = vector.extract_strided_slice %mul3A_19 {offsets = [0, 0], sizes = [2000, 64], strides = [1, 1]} : vector<2000x128xf32> to vector<2000x64xf32>
    %swap3A = arith.constant 0 : index
    %swap3A_20 = arith.constant 0 : index
    %swap3A_21 = vector.load %arg5[%swap3A, %swap3A_20] : memref<2000x64xf32, #tpu.memory_space<vmem>>, vector<2000x64xf32>
    tpu.vector_store %arg5[%swap3A, %swap3A_20], %slice3A {strides = array<i32>} : memref<2000x64xf32, #tpu.memory_space<vmem>>, vector<2000x64xf32>,
    %slice3A_22 = vector.extract_strided_slice %mul3A_19 {offsets = [0, 64], sizes = [2000, 64], strides = [1, 1]} : vector<2000x128xf32> to vector<2000x64xf32>
    %swap3A_23 = arith.constant 0 : index
    %swap3A_24 = arith.constant 0 : index
    %swap3A_25 = vector.load %arg6[%swap3A_23, %swap3A_24] : memref<2000x64xf32, #tpu.memory_space<vmem>>, vector<2000x64xf32>
    tpu.vector_store %arg6[%swap3A_23, %swap3A_24], %slice3A_22 {strides = array<i32>} : memref<2000x64xf32, #tpu.memory_space<vmem>>, vector<2000x64xf32>,
    return
  }
  func.func @transform_0(%arg0: i32) -> (i32, i32) {
    %c0_i32 = arith.constant 0 : i32
    %c0_i32_0 = arith.constant 0 : i32
    return %arg0, %c0_i32 : i32, i32
  }
  func.func @transform_1(%arg0: i32) -> (i32, i32) {
    %c0_i32 = arith.constant 0 : i32
    %c0_i32_0 = arith.constant 0 : i32
    %c0_i32_1 = arith.constant 0 : i32
    return %c0_i32, %c0_i32_0 : i32, i32
  }
  func.func @transform_2(%arg0: i32) -> (i32, i32, i32) {
    %c0_i32 = arith.constant 0 : i32
    %c0_i32_0 = arith.constant 0 : i32
    %c0_i32_1 = arith.constant 0 : i32
    return %c0_i32, %arg0, %c0_i32_0 : i32, i32, i32
  }
  func.func @transform_3(%arg0: i32) -> (i32, i32, i32) {
    %c1_i32 = arith.constant 1 : i32
    %c0_i32 = arith.constant 0 : i32
    %c0_i32_0 = arith.constant 0 : i32
    return %c1_i32, %arg0, %c0_i32 : i32, i32, i32
  }
  func.func @transform_4(%arg0: i32) -> (i32, i32) {
    %c0_i32 = arith.constant 0 : i32
    %c0_i32_0 = arith.constant 0 : i32
    return %arg0, %c0_i32 : i32, i32
  }
  func.func @transform_5(%arg0: i32) -> (i32, i32) {
    %c0_i32 = arith.constant 0 : i32
    %c0_i32_0 = arith.constant 0 : i32
    return %arg0, %c0_i32 : i32, i32
  }
}

module attributes {stable_mosaic.version = 14 : i64} {
  func.func @_tc2_body(%arg0: i32, %arg1: memref<1x2000x64xf32, #tpu.memory_space<vmem>>, %arg2: memref<1x2000x64xf32, #tpu.memory_space<vmem>>, %arg3: memref<2000x64xf32, #tpu.memory_space<vmem>>, %arg4: memref<2000x64xf32, #tpu.memory_space<vmem>>, %arg5: memref<1x2000x8xf32, #tpu.memory_space<vmem>>, %arg6: memref<1x2000x8xf32, #tpu.memory_space<vmem>>, %arg7: memref<1x128xf32, #tpu.memory_space<vmem>>, %arg8: memref<128x64xf32, #tpu.memory_space<vmem>>, %arg9: memref<2000x64xf32, #tpu.memory_space<vmem>>) attributes {dimension_semantics = [#tpu.dimension_semantics<arbitrary>], iteration_bounds = array<i64: 5>, scalar_prefetch = 0 : i64, scratch_operands = 0 : i64, tpu.core_type = #tpu.core_type<tc>, window_params = [{transform_indices = @transform_0, window_bounds = array<i64: 1, 2000, 64>}, {transform_indices = @transform_1, window_bounds = array<i64: 1, 2000, 64>}, {transform_indices = @transform_2, window_bounds = array<i64: 2000, 64>}, {transform_indices = @transform_3, window_bounds = array<i64: 2000, 64>}, {transform_indices = @transform_4, window_bounds = array<i64: 1, 2000, 8>}, {transform_indices = @transform_5, window_bounds = array<i64: 1, 2000, 8>}, {pipeline_mode = #tpu.pipeline_mode<synchronous>, transform_indices = @transform_6, window_bounds = array<i64: 1, 128>}, {pipeline_mode = #tpu.pipeline_mode<synchronous>, transform_indices = @transform_7, window_bounds = array<i64: 128, 64>}, {transform_indices = @transform_8, window_bounds = array<i64: 2000, 64>}]} {
    %get3A = arith.constant 0 : index
    %get3A_0 = arith.constant 0 : index
    %get3A_1 = arith.constant 0 : index
    %get3A_2 = vector.load %arg5[%get3A, %get3A_0, %get3A_1] : memref<1x2000x8xf32, #tpu.memory_space<vmem>>, vector<1x2000x1xf32>
    %get3A_3 = vector.shape_cast %get3A_2 : vector<1x2000x1xf32> to vector<2000x1xf32>
    %get3A_4 = arith.constant 0 : index
    %get3A_5 = arith.constant 0 : index
    %get3A_6 = arith.constant 0 : index
    %get3A_7 = vector.load %arg6[%get3A_4, %get3A_5, %get3A_6] : memref<1x2000x8xf32, #tpu.memory_space<vmem>>, vector<1x2000x1xf32>
    %get3A_8 = vector.shape_cast %get3A_7 : vector<1x2000x1xf32> to vector<2000x1xf32>
    %add3A = arith.addf %get3A_3, %get3A_8 : vector<2000x1xf32>
    %add3A_9 = arith.constant 1.000000e+00 : f32
    %add3A_10 = vector.broadcast %add3A_9 : f32 to vector<2000x1xf32>
    %add3A_11 = arith.addf %add3A, %add3A_10 : vector<2000x1xf32>
    %rsqrt3A = math.rsqrt %add3A_11 : vector<2000x1xf32>
    %get3A_12 = arith.constant 0 : index
    %get3A_13 = arith.constant 0 : index
    %get3A_14 = arith.constant 0 : index
    %get3A_15 = vector.load %arg1[%get3A_12, %get3A_13, %get3A_14] : memref<1x2000x64xf32, #tpu.memory_space<vmem>>, vector<1x2000x64xf32>
    %get3A_16 = vector.shape_cast %get3A_15 : vector<1x2000x64xf32> to vector<2000x64xf32>
    %get3A_17 = arith.constant 0 : index
    %get3A_18 = arith.constant 0 : index
    %get3A_19 = vector.load %arg3[%get3A_17, %get3A_18] : memref<2000x64xf32, #tpu.memory_space<vmem>>, vector<2000x64xf32>
    %add3A_20 = arith.addf %get3A_16, %get3A_19 : vector<2000x64xf32>
    %get3A_21 = arith.constant 0 : index
    %get3A_22 = arith.constant 0 : index
    %get3A_23 = arith.constant 0 : index
    %get3A_24 = vector.load %arg2[%get3A_21, %get3A_22, %get3A_23] : memref<1x2000x64xf32, #tpu.memory_space<vmem>>, vector<1x2000x64xf32>
    %get3A_25 = vector.shape_cast %get3A_24 : vector<1x2000x64xf32> to vector<2000x64xf32>
    %get3A_26 = arith.constant 0 : index
    %get3A_27 = arith.constant 0 : index
    %get3A_28 = vector.load %arg4[%get3A_26, %get3A_27] : memref<2000x64xf32, #tpu.memory_space<vmem>>, vector<2000x64xf32>
    %add3A_29 = arith.addf %get3A_25, %get3A_28 : vector<2000x64xf32>
    %concatenate3A = tpu.concatenate %add3A_20, %add3A_29 in 1 : vector<2000x64xf32>, vector<2000x64xf32> -> vector<2000x128xf32>
    %mul3A = vector.broadcast %rsqrt3A : vector<2000x1xf32> to vector<2000x128xf32>
    %mul3A_30 = arith.mulf %concatenate3A, %mul3A : vector<2000x128xf32>
    %get3A_31 = arith.constant 0 : index
    %get3A_32 = arith.constant 0 : index
    %get3A_33 = vector.load %arg7[%get3A_31, %get3A_32] : memref<1x128xf32, #tpu.memory_space<vmem>>, vector<1x128xf32>
    %add3A_34 = vector.broadcast %get3A_33 : vector<1x128xf32> to vector<2000x128xf32>
    %add3A_35 = arith.addf %mul3A_30, %add3A_34 : vector<2000x128xf32>
    %max3A = arith.constant 0.000000e+00 : f32
    %max3A_36 = vector.broadcast %max3A : f32 to vector<2000x128xf32>
    %max3A_37 = arith.maximumf %add3A_35, %max3A_36 : vector<2000x128xf32>
    %get3A_38 = arith.constant 0 : index
    %get3A_39 = arith.constant 0 : index
    %get3A_40 = vector.load %arg8[%get3A_38, %get3A_39] : memref<128x64xf32, #tpu.memory_space<vmem>>, vector<128x64xf32>
    %dot_general3A = arith.constant dense<0.000000e+00> : vector<2000x64xf32>
    %dot_general3A_41 = tpu.matmul %max3A_37, %get3A_40, %dot_general3A {dimension_numbers = #tpu.dot_dimension_numbers<[1], [0], [0], [1], [0, 0, 1, 1], [], []>, transpose_lhs_hint = false} : vector<2000x128xf32>, vector<128x64xf32>, vector<2000x64xf32> -> vector<2000x64xf32>
    %mul3A_42 = vector.broadcast %rsqrt3A : vector<2000x1xf32> to vector<2000x64xf32>
    %mul3A_43 = arith.mulf %dot_general3A_41, %mul3A_42 : vector<2000x64xf32>
    %swap3A = arith.constant 0 : index
    %swap3A_44 = arith.constant 0 : index
    %swap3A_45 = vector.load %arg9[%swap3A, %swap3A_44] : memref<2000x64xf32, #tpu.memory_space<vmem>>, vector<2000x64xf32>
    tpu.vector_store %arg9[%swap3A, %swap3A_44], %mul3A_43 {strides = array<i32>} : memref<2000x64xf32, #tpu.memory_space<vmem>>, vector<2000x64xf32>,
    return
  }
  func.func @transform_0(%arg0: i32) -> (i32, i32, i32) {
    %c0_i32 = arith.constant 0 : i32
    %c0_i32_0 = arith.constant 0 : i32
    %c0_i32_1 = arith.constant 0 : i32
    return %c0_i32, %arg0, %c0_i32_0 : i32, i32, i32
  }
  func.func @transform_1(%arg0: i32) -> (i32, i32, i32) {
    %c1_i32 = arith.constant 1 : i32
    %c0_i32 = arith.constant 0 : i32
    %c0_i32_0 = arith.constant 0 : i32
    return %c1_i32, %arg0, %c0_i32 : i32, i32, i32
  }
  func.func @transform_2(%arg0: i32) -> (i32, i32) {
    %c0_i32 = arith.constant 0 : i32
    %c0_i32_0 = arith.constant 0 : i32
    return %arg0, %c0_i32 : i32, i32
  }
  func.func @transform_3(%arg0: i32) -> (i32, i32) {
    %c0_i32 = arith.constant 0 : i32
    %c0_i32_0 = arith.constant 0 : i32
    return %arg0, %c0_i32 : i32, i32
  }
  func.func @transform_4(%arg0: i32) -> (i32, i32, i32) {
    %c0_i32 = arith.constant 0 : i32
    %c0_i32_0 = arith.constant 0 : i32
    %c0_i32_1 = arith.constant 0 : i32
    return %c0_i32, %arg0, %c0_i32_0 : i32, i32, i32
  }
  func.func @transform_5(%arg0: i32) -> (i32, i32, i32) {
    %c1_i32 = arith.constant 1 : i32
    %c0_i32 = arith.constant 0 : i32
    %c0_i32_0 = arith.constant 0 : i32
    return %c1_i32, %arg0, %c0_i32 : i32, i32, i32
  }
  func.func @transform_6(%arg0: i32) -> (i32, i32) {
    %c0_i32 = arith.constant 0 : i32
    %c0_i32_0 = arith.constant 0 : i32
    %c0_i32_1 = arith.constant 0 : i32
    return %c0_i32, %c0_i32_0 : i32, i32
  }
  func.func @transform_7(%arg0: i32) -> (i32, i32) {
    %c0_i32 = arith.constant 0 : i32
    %c0_i32_0 = arith.constant 0 : i32
    %c0_i32_1 = arith.constant 0 : i32
    return %c0_i32, %c0_i32_0 : i32, i32
  }
  func.func @transform_8(%arg0: i32) -> (i32, i32) {
    %c0_i32 = arith.constant 0 : i32
    %c0_i32_0 = arith.constant 0 : i32
    return %arg0, %c0_i32 : i32, i32
  }
}

module attributes {stable_mosaic.version = 14 : i64} {
  func.func @_tc3_body(%arg0: i32, %arg1: memref<1x2000x64xf32, #tpu.memory_space<vmem>>, %arg2: memref<1x2000x64xf32, #tpu.memory_space<vmem>>, %arg3: memref<2000x64xf32, #tpu.memory_space<vmem>>, %arg4: memref<1x2000x8xf32, #tpu.memory_space<vmem>>, %arg5: memref<1x2000x8xf32, #tpu.memory_space<vmem>>, %arg6: memref<1x64xf32, #tpu.memory_space<vmem>>, %arg7: memref<2000x64xf32, #tpu.memory_space<vmem>>) attributes {dimension_semantics = [#tpu.dimension_semantics<arbitrary>], iteration_bounds = array<i64: 5>, scalar_prefetch = 0 : i64, scratch_operands = 0 : i64, tpu.core_type = #tpu.core_type<tc>, window_params = [{transform_indices = @transform_0, window_bounds = array<i64: 1, 2000, 64>}, {transform_indices = @transform_1, window_bounds = array<i64: 1, 2000, 64>}, {transform_indices = @transform_2, window_bounds = array<i64: 2000, 64>}, {transform_indices = @transform_3, window_bounds = array<i64: 1, 2000, 8>}, {transform_indices = @transform_4, window_bounds = array<i64: 1, 2000, 8>}, {pipeline_mode = #tpu.pipeline_mode<synchronous>, transform_indices = @transform_5, window_bounds = array<i64: 1, 64>}, {transform_indices = @transform_6, window_bounds = array<i64: 2000, 64>}]} {
    %get3A = arith.constant 0 : index
    %get3A_0 = arith.constant 0 : index
    %get3A_1 = arith.constant 0 : index
    %get3A_2 = vector.load %arg4[%get3A, %get3A_0, %get3A_1] : memref<1x2000x8xf32, #tpu.memory_space<vmem>>, vector<1x2000x1xf32>
    %get3A_3 = vector.shape_cast %get3A_2 : vector<1x2000x1xf32> to vector<2000x1xf32>
    %get3A_4 = arith.constant 0 : index
    %get3A_5 = arith.constant 0 : index
    %get3A_6 = arith.constant 0 : index
    %get3A_7 = vector.load %arg5[%get3A_4, %get3A_5, %get3A_6] : memref<1x2000x8xf32, #tpu.memory_space<vmem>>, vector<1x2000x1xf32>
    %get3A_8 = vector.shape_cast %get3A_7 : vector<1x2000x1xf32> to vector<2000x1xf32>
    %add3A = arith.addf %get3A_3, %get3A_8 : vector<2000x1xf32>
    %add3A_9 = arith.constant 1.000000e+00 : f32
    %add3A_10 = vector.broadcast %add3A_9 : f32 to vector<2000x1xf32>
    %add3A_11 = arith.addf %add3A, %add3A_10 : vector<2000x1xf32>
    %rsqrt3A = math.rsqrt %add3A_11 : vector<2000x1xf32>
    %get3A_12 = arith.constant 0 : index
    %get3A_13 = arith.constant 0 : index
    %get3A_14 = arith.constant 0 : index
    %get3A_15 = vector.load %arg1[%get3A_12, %get3A_13, %get3A_14] : memref<1x2000x64xf32, #tpu.memory_space<vmem>>, vector<1x2000x64xf32>
    %get3A_16 = vector.shape_cast %get3A_15 : vector<1x2000x64xf32> to vector<2000x64xf32>
    %get3A_17 = arith.constant 0 : index
    %get3A_18 = arith.constant 0 : index
    %get3A_19 = arith.constant 0 : index
    %get3A_20 = vector.load %arg2[%get3A_17, %get3A_18, %get3A_19] : memref<1x2000x64xf32, #tpu.memory_space<vmem>>, vector<1x2000x64xf32>
    %get3A_21 = vector.shape_cast %get3A_20 : vector<1x2000x64xf32> to vector<2000x64xf32>
    %add3A_22 = arith.addf %get3A_16, %get3A_21 : vector<2000x64xf32>
    %get3A_23 = arith.constant 0 : index
    %get3A_24 = arith.constant 0 : index
    %get3A_25 = vector.load %arg3[%get3A_23, %get3A_24] : memref<2000x64xf32, #tpu.memory_space<vmem>>, vector<2000x64xf32>
    %add3A_26 = arith.addf %add3A_22, %get3A_25 : vector<2000x64xf32>
    %mul3A = vector.broadcast %rsqrt3A : vector<2000x1xf32> to vector<2000x64xf32>
    %mul3A_27 = arith.mulf %add3A_26, %mul3A : vector<2000x64xf32>
    %get3A_28 = arith.constant 0 : index
    %get3A_29 = arith.constant 0 : index
    %get3A_30 = vector.load %arg6[%get3A_28, %get3A_29] : memref<1x64xf32, #tpu.memory_space<vmem>>, vector<1x64xf32>
    %add3A_31 = vector.broadcast %get3A_30 : vector<1x64xf32> to vector<2000x64xf32>
    %add3A_32 = arith.addf %mul3A_27, %add3A_31 : vector<2000x64xf32>
    %swap3A = arith.constant 0 : index
    %swap3A_33 = arith.constant 0 : index
    %swap3A_34 = vector.load %arg7[%swap3A, %swap3A_33] : memref<2000x64xf32, #tpu.memory_space<vmem>>, vector<2000x64xf32>
    tpu.vector_store %arg7[%swap3A, %swap3A_33], %add3A_32 {strides = array<i32>} : memref<2000x64xf32, #tpu.memory_space<vmem>>, vector<2000x64xf32>,
    return
  }
  func.func @transform_0(%arg0: i32) -> (i32, i32, i32) {
    %c0_i32 = arith.constant 0 : i32
    %c0_i32_0 = arith.constant 0 : i32
    %c0_i32_1 = arith.constant 0 : i32
    return %c0_i32, %arg0, %c0_i32_0 : i32, i32, i32
  }
  func.func @transform_1(%arg0: i32) -> (i32, i32, i32) {
    %c1_i32 = arith.constant 1 : i32
    %c0_i32 = arith.constant 0 : i32
    %c0_i32_0 = arith.constant 0 : i32
    return %c1_i32, %arg0, %c0_i32 : i32, i32, i32
  }
  func.func @transform_2(%arg0: i32) -> (i32, i32) {
    %c0_i32 = arith.constant 0 : i32
    %c0_i32_0 = arith.constant 0 : i32
    return %arg0, %c0_i32 : i32, i32
  }
  func.func @transform_3(%arg0: i32) -> (i32, i32, i32) {
    %c0_i32 = arith.constant 0 : i32
    %c0_i32_0 = arith.constant 0 : i32
    %c0_i32_1 = arith.constant 0 : i32
    return %c0_i32, %arg0, %c0_i32_0 : i32, i32, i32
  }
  func.func @transform_4(%arg0: i32) -> (i32, i32, i32) {
    %c1_i32 = arith.constant 1 : i32
    %c0_i32 = arith.constant 0 : i32
    %c0_i32_0 = arith.constant 0 : i32
    return %c1_i32, %arg0, %c0_i32 : i32, i32, i32
  }
  func.func @transform_5(%arg0: i32) -> (i32, i32) {
    %c0_i32 = arith.constant 0 : i32
    %c0_i32_0 = arith.constant 0 : i32
    %c0_i32_1 = arith.constant 0 : i32
    return %c0_i32, %c0_i32_0 : i32, i32
  }
  func.func @transform_6(%arg0: i32) -> (i32, i32) {
    %c0_i32 = arith.constant 0 : i32
    %c0_i32_0 = arith.constant 0 : i32
    return %arg0, %c0_i32 : i32, i32
  }
}

</mosaic_0001>

<sc_bundles>
// kernel: kernel.11.cloned.1.call-start
scs
__scs_entry_jumppad:
0x0: {  	(pc) =	sbr.rel $0x88, $3  }
0x1: {  	(tag) =	ssettag $0x0;
	lr =	simm.s32 $0x1  }
0x2: {  	[smem:$0x3F9B] =	sst lr;
	_ =	strace $0xD0000000  }
0x3: {  	_ = 	snop  }
0x4: {  	_ = 	snop  }
0x5: {  	_ = 	snop  }
0x6: {  	_ = 	snop  }
0x7: {  	_ = 	snop  }
__scs_overlays_trampoline_lowered:
0x8: {  	[smem:$0x3FAA] =	sst s0  }
0x9: {  	[smem:$0x3FAB] =	sst s1  }
0xa: {  	[smem:$0x3FAC] =	sst s2  }
0xb: {  	[smem:$0x3FAD] =	sst s3  }
0xc: {  	[smem:$0x3FAE] =	sst s4  }
0xd: {  	[smem:$0x3FAF] =	sst s5  }
0xe: {  	[smem:$0x3FB0] =	sst s6  }
0xf: {  	[smem:$0x3FB1] =	sst s7  }
0x10: {  	[smem:$0x3FB2] =	sst s8  }
0x11: {  	[smem:$0x3FB3] =	sst s9;
	s0 =	simm.s32 @!p0 $0x0  }
0x12: {  	s1 =	sld [smem:$0x3F99];
	s0 =	simm.s32 @p0 $0x1  }
0x13: {  	[smem:$0x3FB4] =	sst s0;
	s0 =	simm.s32 @!p1 $0x0  }
0x14: {  	s2 =	sld [smem:$0x3F98];
	s0 =	simm.s32 @p1 $0x1  }
0x15: {  	[smem:$0x3FB5] =	sst s0;
	s0 =	simm.s32 @!p2 $0x0  }
0x16: {  	s3 =	sld [smem:$0x3FDB];
	s0 =	simm.s32 @p2 $0x1  }
0x17: {  	s4 =	simm.s32 $0x1BF5;
	[smem:$0x3FB7] =	sst s0  }
0x18: {  	s0 =	sld [smem:$0x3F9A];
	_ =	swait.ge [sflag:s4], $0x0  }
0x19: {  	s7 =	sld [smem:$0x3F9B]  }
0x1a: {  	s8 =	sadd.s32 $0xFFFFE003, lr  }
0x1b: {  	s9 =	sadd.s32 $0xFFFFFEF7, lr;
	s5 =	simm.s32 $0xFFFFFFFF;
	p2 =	slt.u32 s8, $0xFFFFF086  }
0x1c: {  	p1 =	slt.u32 s9, $0xF7A;
	s5 =	simm.s32 @!p2 $0x0  }
0x1d: {  	s5 =	simm.s32 @p1 $0x1;
	p0 =	seq.s32 s7, s2  }
0x1e: {  	s7 =	smul.u32 @!p0 $0xF7A, s2;
	p2 =	seq.s32 @!p0 s5, $0x0  }
0x1f: {  	s9 =	smul.u32 $0xF7A, s1;
	s8 =	simm.s32 @!p0 $0x1BF5;
	p2 =	por !p2, p0  }
0x20: {  	[sflag:s8] =	ssyncset.s32 @!p0 $0xFFFFF086;
	s6 =	sadd.s32 @!p0 s3, s7;
	s7 =	simm.s32 @!p0 $0x108  }
0x21: {  	s3 =	sadd.s32 s3, s9;
	s6 =	sadd.s32 @!p0 $0x88, s6;
	s7 =	simm.s32 @p2 $0x1082  }
0x22: {  	[simem:s7], [sflag:s8] =	dma.local @!p0 [hbm:s6], $0xF7A  }
0x23: {  	s9 =	sor.u32 $0xD0000000, s2;
	s6 =	simm.s32 $0x108;
	_ =	swait.ge @!p0 [sflag:s8], $0x0  }
0x24: {  	s3 =	sadd.s32 $0x88, s3;
	s6 =	simm.s32 @!p1 $0x1082;
	[sflag:s4] =	ssyncset.s32 $0xFFFFF086  }
0x25: {  	[simem:s6], [sflag:s4] =	dma.local [hbm:s3], $0xF7A  }
0x26: {  	[smem:$0x3F9B] =	sst s1;
	(tag) =	ssettag s2;
	_ =	strace s9  }
0x27: {  	s1 =	sld [smem:$0x3FAB]  }
0x28: {  	s2 =	sld [smem:$0x3FAC]  }
0x29: {  	s4 =	sld [smem:$0x3FAE]  }
0x2a: {  	p0 =	seq.s32 s5, $0x0;
	s5 =	sld [smem:$0x3FAF]  }
0x2b: {  	s6 =	sld [smem:$0x3FB0]  }
0x2c: {  	s7 =	sld [smem:$0x3FB1]  }
0x2d: {  	s3 =	simm.s32 $0x108;
	s8 =	sld [smem:$0x3FB2]  }
0x2e: {  	s3 =	simm.s32 @!p0 $0x1082;
	s9 =	sld [smem:$0x3FB3]  }
0x2f: {  	lr =	sadd.s32 s0, s3;
	s0 =	sld [smem:$0x3FAA]  }
0x30: {  	s3 =	sld [smem:$0x3FAD]  }
0x31: {  	[smem:$0x3FB6] =	sst s10  }
0x32: {  	s10 =	sld [smem:$0x3FB4];
	_ =	sdelay $0x3  }
0x33: {  	p0 =	seq.s32 s10, $0x1;
	s10 =	sld [smem:$0x3FB6];
	_ =	sdelay $0x3  }
0x34: {  	[smem:$0x3FB6] =	sst s10  }
0x35: {  	s10 =	sld [smem:$0x3FB5];
	_ =	sdelay $0x3  }
0x36: {  	p1 =	seq.s32 s10, $0x1;
	s10 =	sld [smem:$0x3FB6];
	_ =	sdelay $0x3  }
0x37: {  	[smem:$0x3FB6] =	sst s10  }
0x38: {  	s10 =	sld [smem:$0x3FB7]  }
0x39: {  	_ = 	snop;
	(pc) =	sbr.ind lr, $3  }
0x3a: {  	_ = 	snop  }
0x3b: {  	_ = 	snop  }
0x3c: {  	p2 =	seq.s32 s10, $0x1;
	s10 =	sld [smem:$0x3FB6]  }
0x3d: {  	_ =	shalt  }
0x3e: {  	_ =	shalt  }
0x3f: {  	_ =	shalt  }
0x40: {  	_ =	shalt  }
0x41: {  	_ =	shalt  }
0x42: {  	_ =	shalt  }
0x43: {  	_ =	shalt  }
0x44: {  	_ =	shalt  }
0x45: {  	_ =	shalt  }
0x46: {  	_ =	shalt  }
0x47: {  	_ =	shalt  }
0x48: {  	_ =	shalt  }
0x49: {  	_ =	shalt  }
0x4a: {  	_ =	shalt  }
0x4b: {  	_ =	shalt  }
0x4c: {  	_ =	shalt  }
0x4d: {  	_ =	shalt  }
0x4e: {  	_ =	shalt  }
0x4f: {  	_ =	shalt  }
0x50: {  	_ =	shalt  }
0x51: {  	_ =	shalt  }
0x52: {  	_ =	shalt  }
0x53: {  	_ =	shalt  }
0x54: {  	_ =	shalt  }
0x55: {  	_ =	shalt  }
0x56: {  	_ =	shalt  }
0x57: {  	_ =	shalt  }
0x58: {  	_ =	shalt  }
0x59: {  	_ =	shalt  }
0x5a: {  	_ =	shalt  }
0x5b: {  	_ =	shalt  }
0x5c: {  	_ =	shalt  }
0x5d: {  	_ =	shalt  }
0x5e: {  	_ =	shalt  }
0x5f: {  	_ =	shalt  }
0x60: {  	_ =	shalt  }
0x61: {  	_ =	shalt  }
0x62: {  	_ =	shalt  }
0x63: {  	_ =	shalt  }
0x64: {  	_ =	shalt  }
0x65: {  	_ =	shalt  }
0x66: {  	_ =	shalt  }
0x67: {  	_ =	shalt  }
0x68: {  	_ =	shalt  }
0x69: {  	_ =	shalt  }
0x6a: {  	_ =	shalt  }
0x6b: {  	_ =	shalt  }
0x6c: {  	_ =	shalt  }
0x6d: {  	_ =	shalt  }
0x6e: {  	_ =	shalt  }
0x6f: {  	_ =	shalt  }
0x70: {  	_ =	shalt  }
0x71: {  	_ =	shalt  }
0x72: {  	_ =	shalt  }
0x73: {  	_ =	shalt  }
0x74: {  	_ =	shalt  }
0x75: {  	_ =	shalt  }
0x76: {  	_ =	shalt  }
0x77: {  	_ =	shalt  }
0x78: {  	_ =	shalt  }
0x79: {  	_ =	shalt  }
0x7a: {  	_ =	shalt  }
0x7b: {  	_ =	shalt  }
0x7c: {  	_ =	shalt  }
0x7d: {  	_ =	shalt  }
0x7e: {  	_ =	shalt  }
0x7f: {  	_ =	shalt  }
0x80: {  	_ =	shalt  }
0x81: {  	_ =	shalt  }
0x82: {  	_ =	shalt  }
0x83: {  	_ =	shalt  }
0x84: {  	_ =	shalt  }
0x85: {  	_ =	shalt  }
0x86: {  	_ =	shalt  }
0x87: {  	_ =	shalt  }
.Lfunc_end0:
.L_simem_size_0:
called_computation.1_lowered:
.L_overlay_start_0:
0x88: {  	s2 =	sld [smem:$0x3FD9]  }
0x89: {  	s3 =	sld [smem:$0x3FFE];
	_ =	sdelay $0x1  }
0x8a: {  	s1 =	srdreg.scid  }
0x8b: {  	s0 =	sand.u32 $0x1, s1  }
0x8c: {  	s17 =	sshll.u32 s0, $0xA;
	s2 =	sadd.s32 s3, s2  }
0x8d: {  	s2 =	sadd.s32 s2, s17  }
0x8e: {  	[smem:$0x3FC2] =	sst s2  }
0x8f: {  	_ = 	snop  }
0x90: {  	s2 =	sld [smem:$0x3FD0];
	(tm) =	ssettm $0x1  }
0x91: {  	s18 =	sld [smem:$0x3FFB];
	_ =	sdelay $0x3  }
0x92: {  	_ =	strace s18  }
0x93: {  	s3 =	sld [smem:$0x3FFC];
	_ =	sdelay $0x3  }
0x94: {  	_ =	strace s3  }
0x95: {  	s3 =	sld [smem:$0x3FFD];
	_ =	sdelay $0x3  }
0x96: {  	_ =	strace s3  }
0x97: {  	_ =	strace $0x8FFFFFFF  }
0x98: {  	s19 =	sld [smem:$0x3FDB];
	_ =	sdelay $0x1  }
0x99: {  	s4 =	simm.s32 $_scs_section_size  }
0x9a: {  	s5 =	simm.s32 $_size__tile_overlayer_lowered;
	s6 =	simm.s32 $_tile_overlayer_lowered  }
0x9b: {  	s22 =	simm.s32 $0x1BFF;
	s21 =	sshll.u32 s6, $0x1;
	s3 =	sadd.s32 s4, s19  }
0x9c: {  	s7 =	simm.s32 $0x0;
	s20 =	sshll.u32 s5, $0x1;
	s5 =	sadd.s32 s21, s3  }
0x9d: {  	[timem:s7], [sflag:s22] =	dma.local [hbm:s5], s20  }
0x9e: {  	_ =	swait.ge [sflag:s22], s20  }
0x9f: {  	s4 =	ssub.s32 $0x0, s20;
	[sflag:s22] =	ssyncset.done $0x0  }
0xa0: {  	[sflag:s22] =	ssyncadd.s32 s4;
	_ =	sdelay $0x1  }
0xa1: {  	s23 =	simm.s32 $0x1B8B  }
0xa2: {  	_ =	swait.ge [sflag:s23], $0x1  }
0xa3: {  	[sflag:s23] =	ssyncset.done $0x0  }
0xa4: {  	s25 =	simm.s32 $0x1B8E;
	s24 =	sld [smem:$0x3FFE];
	[sflag:s23] =	ssyncadd.s32 $0xFFFFFFFF  }
0xa5: {  	s26 =	simm.s32 $execute0_lowered;
	[smem:$0x3FD2] =	sst s25  }
0xa6: {  	s5 =	sshll.u32 s26, $0x1;
	_ =	strace $0x80000049;
	[dreg:$0x1] =	wrdreg $0xFFFFFFFF  }
0xa7: {  	s28 =	simm.s32 $_size_execute0_lowered;
	s3 =	sadd.s32 s3, s5;
	[dreg:$0x0] =	wrdreg $0x0  }
0xa8: {  	s5 =	sshll.u32 s28, $0x1;
	[dreg:$0x2] =	wrdreg s3  }
0xa9: {  	[dreg:$0x3] =	wrdreg s5  }
0xaa: {  	[dreg:$0x4] =	wrdreg $0xC0  }
0xab: {  	_ =	task [dreg:s7], $0x5FFFF  }
0xac: {  	[dreg:$0x1] =	wrdreg $0xFFFFFFFF  }
0xad: {  	[dreg:$0x0] =	wrdreg $0x60  }
0xae: {  	[dreg:$0x2] =	wrdreg s24  }
0xaf: {  	[dreg:$0x3] =	wrdreg s2  }
0xb0: {  	[dreg:$0x4] =	wrdreg $0x12C400  }
0xb1: {  	[dreg:$0x5] =	wrdreg $0x90000  }
0xb2: {  	[dreg:$0x6] =	wrdreg $0x9  }
0xb3: {  	_ =	task.clear_ibuf [dreg:s7], $0x7FFFF;
	_ =	strace $0x90000049  }
0xb4: {  	s29 =	simm.s32 $0x9;
	_ =	strace $0x8000004B  }
0xb5: {  	_ =	swait.ge [sflag:s29], $0x1  }
0xb6: {  	[sflag:s29] =	ssyncadd.s32 $0xFFFFFFFF  }
0xb7: {  	_ =	strace $0x9000004B  }
0xb8: {  	_ =	sfence  }
0xb9: {  	s30 =	sld [smem:$0x0];
	_ =	sdelay $0x2  }
0xba: {  	s31 =	sshll.u32 s1, $0xD;
	s1 =	sshrl.u32 s1, $0x2  }
0xbb: {  	s3 =	sand.u32 $0x4000, s31;
	s1 =	sadd.s32 s1, s30  }
0xbc: {  	s0 =	sor.u32 s3, s0;
	s1 =	sshll.u32 s1, $0x11  }
0xbd: {  	s0 =	sor.u32 s1, s0  }
0xbe: {  	s0 =	sadd.s32 $0x8F2B, s0  }
0xbf: {  	[sflag:s0] =	ssyncadd.remote.s32 $0x1  }
0xc0: {  	_ =	sfence.sel $0xFFFF  }
0xc1: {  	[dreg:$0x0] =	wrdreg $0xFFFFFFFF;
	(pc) =	sbr.abs _section_cstart, $3  }
0xc2: {  	[dreg:$0x1] =	wrdreg $0xFFFFFFFF  }
0xc3: {  	_ =	task.clear_ibuf [dreg:s7], $0x2FFFF;
	_ =	strace $0x9FFFFFFF  }
0xc4: {  	(tm) =	ssettm $0x7FFFFFFF  }
0xc5: {  	_ =	shalt  }
tec
execute0_lowered:
.L_overlay_start_1:
0x0: {  	(tag) =	ssettag $0x1  }
0x1: {  	s10 =	rddreg [dreg:$0x0]  }
0x2: {  	s8 =	rddreg [dreg:$0x1];
	s0 =	stileid.u32  }
0x3: {  	s1 =	srdreg.scid;
	s2 =	rddreg [dreg:$0x2]  }
0x4: {  	s3 =	rddreg [dreg:$0x3];
	s4 =	simm.s32 $0x0;
	s16 =	simm.s32 $0x5CC00  }
0x5: {  	s18 =	simm.s32 $0x2;
	s19 =	simm.s32 $0x3;
	s20 =	simm.s32 $0x4  }
0x6: {  	s21 =	simm.s32 $0x80;
	s22 =	simm.s32 $0x5000;
	s23 =	simm.s32 $0x7000  }
0x7: {  	s24 =	simm.s32 $0x5;
	s25 =	simm.s32 $0x4F00;
	s7 =	smul.u32 $0x9D00, s0  }
0x8: {  	s26 =	simm.s32 $0x4F80;
	s28 =	simm.s32 $0x0;
	s6 =	smul.u32 $0x500, s0  }
0x9: {  	s9 =	sand.u32 $0x1, s1;
	[smem:$0x7FF] =	sst s4;
	s15 =	smul.u32 $0x9C40, s0  }
0xa: {  	s1 =	rddreg [dreg:$0x4];
	s5 =	smul.u32 $0x9D000, s9;
	_ =	strace $0x8000004A  }
0xb: {  	s11 =	ssub.s32 $0x2, s9;
	p0 =	seq.s32 s9, $0x1;
	s6 =	sadd.s32 s6, s10  }
0xc: {  	s29 =	sshrl.u32 s11, $0x1;
	s14 =	sadd.s32 s7, s2;
	s13 =	sshrl.u32 s7, $0x3  }
0xd: {  	s16 =	simm.s32 @!p0 $0x70600;
	s17 =	sadd.s32 s15, s3;
	s30 =	sshrl.u32 s15, $0x3  }
0xe: {  	s5 =	sadd.s32 s7, s5;
	s11 =	ssub.s32 s11, s29;
	s7 =	sshll.u32 s0, $0x6  }
0xf: {  	s8 =	sadd.s32 s8, s13;
	s31 =	sadd.s32 s16, s10;
	s13 =	simm.s32 $0x2800  }
0x10: {  	s14 =	sshrl.u32 s14, $0x3;
	s16 =	sshrl.u32 s17, $0x3;
	s17 =	simm.s32 $0x1  }
0x11: {  	s5 =	sshrl.u32 s5, $0x3;
	s9 =	sor.u32 $0x1C03, s7;
	s11 =	smax.u32 s11, $0x1  }
0x12: {  	s15 =	sor.u32 $0x1C04, s7;
	s12 =	sadd.s32 s5, s10;
	s5 =	sadd.s32 $0x9400, s6  }
0x13: {  	s6 =	sadd.s32 $0x1A00, s6;
	s10 =	sadd.s32 $0x84000, s12;
	s12 =	sadd.s32 s31, s30  }
.LBB2_1:
0x14: {  	[tilespmem:s4], [sflag:$0x1] =	stream.linear.gather [hbm4b:s5+s4], $0x2800, $0x38;
	[tilespmem:$0x1C940] =	vst v63  }
0x15: {  	_ = 	snop  }
0x16: {  	[tilespmem:s13], [sflag:$0x2] =	stream.linear.gather [hbm4b:s6+s4], $0x2800, $0x38;
	[tilespmem:$0x1C940] =	vst v63  }
0x17: {  	[spmem:s14], [sflag:s9] =	dma.local [hbm:s8], $0x13A0  }
0x18: {  	[spmem:s16], [sflag:s15] =	dma.local [hbm:s12], $0x1388  }
0x19: {  	_ =	swait.ge [sflag:s17], $0x2800  }
0x1a: {  	[sflag:s17] =	ssyncset.done $0x0  }
0x1b: {  	[sflag:s17] =	ssyncadd.s32 $0xFFFFD800  }
0x1c: {  	_ =	swait.ge [sflag:s18], $0x2800  }
0x1d: {  	[sflag:s18] =	ssyncset.done $0x0  }
0x1e: {  	[sflag:s18] =	ssyncadd.s32 $0xFFFFD800  }
0x1f: {  	_ =	swait.ge [sflag:s19], $0x13A0  }
0x20: {  	[sflag:s19] =	ssyncset.done $0x0  }
0x21: {  	[sflag:s19] =	ssyncadd.s32 $0xFFFFEC60  }
0x22: {  	_ =	swait.ge [sflag:s20], $0x1388  }
0x23: {  	[sflag:s20] =	ssyncset.done $0x0  }
0x24: {  	[sflag:s20] =	ssyncadd.s32 $0xFFFFEC78  }
0x25: {  	[bflag:$0x0] =	sbarrier.arrive $0xFFFF  }
0x26: {  	[tilespmem:s22], [sflag:$0x1] =	stream.indirect.gather [spmem:s3], $0x40, s4, s21, $0xb8;
	[tilespmem:$0x1C940] =	vst v63  }
0x27: {  	_ = 	snop  }
0x28: {  	[tilespmem:s23], [sflag:$0x2] =	stream.indirect.gather [spmem:s3], $0x40, s21, s21, $0xb8;
	[tilespmem:$0x1C940] =	vst v63  }
0x29: {  	_ =	swait.ge [sflag:s17], $0x2000  }
0x2a: {  	[sflag:s17] =	ssyncset.done $0x0  }
0x2b: {  	s29 =	simm.s32 $0x2800;
	[sflag:s17] =	ssyncadd.s32 $0xFFFFE000  }
0x2c: {  	[spmem:s2] =	stream.indirect.scatter.add.f32 [tilespmem:s22], [sflag:$0x5], $0x40, s29, s21, $0xb8;
	[tilespmem:$0x1C940] =	vst v63  }
0x2d: {  	_ =	swait.ge [sflag:s24], $0x2000  }
0x2e: {  	[sflag:s24] =	ssyncset.done $0x0  }
0x2f: {  	s29 =	simm.s32 $0x100;
	[sflag:s24] =	ssyncadd.s32 $0xFFFFE000  }
0x30: {  	[tilespmem:s22], [sflag:$0x1] =	stream.indirect.gather [spmem:s3], $0x40, s29, s21, $0xb8;
	[tilespmem:$0x1C940] =	vst v63  }
0x31: {  	_ =	swait.ge [sflag:s18], $0x2000  }
0x32: {  	[sflag:s18] =	ssyncset.done $0x0  }
0x33: {  	s29 =	simm.s32 $0x2880;
	[sflag:s18] =	ssyncadd.s32 $0xFFFFE000  }
0x34: {  	[spmem:s2] =	stream.indirect.scatter.add.f32 [tilespmem:s23], [sflag:$0x5], $0x40, s29, s21, $0xb8;
	[tilespmem:$0x1C940] =	vst v63  }
0x35: {  	_ =	swait.ge [sflag:s24], $0x2000  }
0x36: {  	[sflag:s24] =	ssyncset.done $0x0  }
0x37: {  	s30 =	simm.s32 $0x180;
	s29 =	simm.s32 $0x400;
	[sflag:s24] =	ssyncadd.s32 $0xFFFFE000  }
.LBB2_2:
0x38: {  	[tilespmem:s23], [sflag:$0x2] =	stream.indirect.gather [spmem:s3], $0x40, s30, s21, $0xb8;
	[tilespmem:$0x1C940] =	vst v63  }
0x39: {  	s30 =	smov.u32 s29  }
0x3a: {  	p0 =	sne.s32 s29, $0x9800;
	s29 =	sadd.s32 $0x400, s29;
	_ =	swait.ge [sflag:s17], $0x2000  }
0x3b: {  	s30 =	sshra.s32 s30, $0x2;
	[sflag:s17] =	ssyncset.done $0x0  }
0x3c: {  	s31 =	sadd.s32 $0x2800, s30;
	[sflag:s17] =	ssyncadd.s32 $0xFFFFE000  }
0x3d: {  	[spmem:s2] =	stream.indirect.scatter.add.f32 [tilespmem:s22], [sflag:$0x5], $0x40, s31, s21, $0xb8;
	[tilespmem:$0x1C940] =	vst v63  }
0x3e: {  	_ =	swait.ge [sflag:s24], $0x2000  }
0x3f: {  	[sflag:s24] =	ssyncset.done $0x0  }
0x40: {  	s31 =	sadd.s32 $0x100, s30;
	[sflag:s24] =	ssyncadd.s32 $0xFFFFE000  }
0x41: {  	[tilespmem:s22], [sflag:$0x1] =	stream.indirect.gather [spmem:s3], $0x40, s31, s21, $0xb8;
	[tilespmem:$0x1C940] =	vst v63  }
0x42: {  	_ =	swait.ge [sflag:s18], $0x2000  }
0x43: {  	[sflag:s18] =	ssyncset.done $0x0  }
.Ltmp0:
0x44: {  	s31 =	sadd.s32 $0x2880, s30;
	[sflag:s18] =	ssyncadd.s32 $0xFFFFE000;
	(pc) =	sbr.rel @p0 .LBB2_2-.Ltmp0, $4  }
0x45: {  	[spmem:s2] =	stream.indirect.scatter.add.f32 [tilespmem:s23], [sflag:$0x5], $0x40, s31, s21, $0xb8;
	[tilespmem:$0x1C940] =	vst v63  }
0x46: {  	_ =	swait.ge [sflag:s24], $0x2000  }
0x47: {  	[sflag:s24] =	ssyncset.done $0x0  }
0x48: {  	s30 =	sadd.s32 $0x180, s30;
	[sflag:s24] =	ssyncadd.s32 $0xFFFFE000  }
0x49: {  	[tilespmem:s23], [sflag:$0x2] =	stream.indirect.gather [spmem:s3], $0x40, s30, s21, $0xb8;
	[tilespmem:$0x1C940] =	vst v63  }
0x4a: {  	_ =	swait.ge [sflag:s17], $0x2000  }
0x4b: {  	[sflag:s17] =	ssyncset.done $0x0  }
0x4c: {  	[sflag:s17] =	ssyncadd.s32 $0xFFFFE000  }
0x4d: {  	[spmem:s2] =	stream.indirect.scatter.add.f32 [tilespmem:s22], [sflag:$0x5], $0x40, s25, s21, $0xb8;
	[tilespmem:$0x1C940] =	vst v63  }
0x4e: {  	_ =	swait.ge [sflag:s24], $0x2000  }
0x4f: {  	[sflag:s24] =	ssyncset.done $0x0  }
0x50: {  	[sflag:s24] =	ssyncadd.s32 $0xFFFFE000  }
0x51: {  	_ =	swait.ge [sflag:s18], $0x2000  }
0x52: {  	[sflag:s18] =	ssyncset.done $0x0  }
0x53: {  	[sflag:s18] =	ssyncadd.s32 $0xFFFFE000  }
0x54: {  	[spmem:s2] =	stream.indirect.scatter.add.f32 [tilespmem:s23], [sflag:$0x5], $0x40, s26, s21, $0xb8;
	[tilespmem:$0x1C940] =	vst v63  }
0x55: {  	_ =	swait.ge [sflag:s24], $0x2000  }
0x56: {  	s28 =	sadd.s32 $0x1, s28;
	[sflag:s24] =	ssyncset.done $0x0  }
0x57: {  	p0 =	sne.s32 s28, s11;
	[sflag:s24] =	ssyncadd.s32 $0xFFFFE000  }
.Ltmp1:
0x58: {  	s29 =	sor.u32 $0x1C05, s7;
	[bflag:$0x0] =	sbarrier.arrive $0xFFFF;
	(pc) =	sbr.rel @p0 .LBB2_1-.Ltmp1, $4  }
0x59: {  	[hbm:s10], [sflag:s29] =	dma.local [spmem:s14], $0x13A0  }
0x5a: {  	_ =	swait.ge [sflag:s24], $0x13A0  }
0x5b: {  	[sflag:s24] =	ssyncset.done $0x0  }
0x5c: {  	[sflag:s24] =	ssyncadd.s32 $0xFFFFEC60  }
0x5d: {  	_ =	sfence.sel $0x180000  }
0x5e: {  	[bflag:$0x0] =	sbarrier.arrive $0xFFFF  }
0x5f: {  	p0 =	sne.s32 s0, $0x0;
	_ =	strace $0x9000004A  }
0x60: {  	s0 =	sadd.s32 @!p0 $0x100000, s1;
	[bflag:$0x2] =	sbarrier.arrive $0xFFFF  }
0x61: {  	[sflag:s0] =	ssyncadd.tile.s32 @!p0 $0x1;
	_ =	shalt  }
.Lfunc_end2:
_tile_overlayer_lowered:
.L_overlay_start_2:
0x62: {  	(tag) =	ssettag $0x2  }
0x63: {  	s0 =	rddreg [dreg:$0x0];
	s2 =	stileid.u32  }
0x64: {  	s1 =	rddreg [dreg:$0x1];
	p0 =	sne.s32 s2, $0x0  }
0x65: {  	s3 =	rddreg [dreg:$0x2];
	[bflag:$0x3] =	sbarrier.arrive $0xFFFF;
	s2 =	simm.s32 @!p0 $0x1C05  }
0x66: {  	[timem:s3], [sflag:s2] =	dma.local @!p0 [hbm:s0], s1  }
0x67: {  	s0 =	simm.s32 @!p0 $0x5  }
0x68: {  	_ =	swait.ge @!p0 [sflag:s0], s1  }
0x69: {  	s1 =	ssub.s32 @!p0 $0x0, s1;
	[sflag:s0] =	ssyncset.done @!p0 $0x0  }
0x6a: {  	[sflag:s0] =	ssyncadd.s32 @!p0 s1  }
0x6b: {  	[bflag:$0x3] =	sbarrier.arrive $0xFFFF  }
0x6c: {  	_ =	shalt  }

// kernel: kernel.14.cloned.1.call-start
scs
__scs_entry_jumppad:
0x0: {  	(pc) =	sbr.rel $0x88, $3  }
0x1: {  	(tag) =	ssettag $0x0;
	lr =	simm.s32 $0x1  }
0x2: {  	[smem:$0x3F9B] =	sst lr;
	_ =	strace $0xD0000000  }
0x3: {  	_ = 	snop  }
0x4: {  	_ = 	snop  }
0x5: {  	_ = 	snop  }
0x6: {  	_ = 	snop  }
0x7: {  	_ = 	snop  }
__scs_overlays_trampoline_lowered:
0x8: {  	[smem:$0x3FAA] =	sst s0  }
0x9: {  	[smem:$0x3FAB] =	sst s1  }
0xa: {  	[smem:$0x3FAC] =	sst s2  }
0xb: {  	[smem:$0x3FAD] =	sst s3  }
0xc: {  	[smem:$0x3FAE] =	sst s4  }
0xd: {  	[smem:$0x3FAF] =	sst s5  }
0xe: {  	[smem:$0x3FB0] =	sst s6  }
0xf: {  	[smem:$0x3FB1] =	sst s7  }
0x10: {  	[smem:$0x3FB2] =	sst s8  }
0x11: {  	[smem:$0x3FB3] =	sst s9;
	s0 =	simm.s32 @!p0 $0x0  }
0x12: {  	s1 =	sld [smem:$0x3F99];
	s0 =	simm.s32 @p0 $0x1  }
0x13: {  	[smem:$0x3FB4] =	sst s0;
	s0 =	simm.s32 @!p1 $0x0  }
0x14: {  	s2 =	sld [smem:$0x3F98];
	s0 =	simm.s32 @p1 $0x1  }
0x15: {  	[smem:$0x3FB5] =	sst s0;
	s0 =	simm.s32 @!p2 $0x0  }
0x16: {  	s3 =	sld [smem:$0x3FDB];
	s0 =	simm.s32 @p2 $0x1  }
0x17: {  	s4 =	simm.s32 $0x1BF5;
	[smem:$0x3FB7] =	sst s0  }
0x18: {  	s0 =	sld [smem:$0x3F9A];
	_ =	swait.ge [sflag:s4], $0x0  }
0x19: {  	s7 =	sld [smem:$0x3F9B]  }
0x1a: {  	s8 =	sadd.s32 $0xFFFFE003, lr  }
0x1b: {  	s9 =	sadd.s32 $0xFFFFFEF7, lr;
	s5 =	simm.s32 $0xFFFFFFFF;
	p2 =	slt.u32 s8, $0xFFFFF086  }
0x1c: {  	p1 =	slt.u32 s9, $0xF7A;
	s5 =	simm.s32 @!p2 $0x0  }
0x1d: {  	s5 =	simm.s32 @p1 $0x1;
	p0 =	seq.s32 s7, s2  }
0x1e: {  	s7 =	smul.u32 @!p0 $0xF7A, s2;
	p2 =	seq.s32 @!p0 s5, $0x0  }
0x1f: {  	s9 =	smul.u32 $0xF7A, s1;
	s8 =	simm.s32 @!p0 $0x1BF5;
	p2 =	por !p2, p0  }
0x20: {  	[sflag:s8] =	ssyncset.s32 @!p0 $0xFFFFF086;
	s6 =	sadd.s32 @!p0 s3, s7;
	s7 =	simm.s32 @!p0 $0x108  }
0x21: {  	s3 =	sadd.s32 s3, s9;
	s6 =	sadd.s32 @!p0 $0x88, s6;
	s7 =	simm.s32 @p2 $0x1082  }
0x22: {  	[simem:s7], [sflag:s8] =	dma.local @!p0 [hbm:s6], $0xF7A  }
0x23: {  	s9 =	sor.u32 $0xD0000000, s2;
	s6 =	simm.s32 $0x108;
	_ =	swait.ge @!p0 [sflag:s8], $0x0  }
0x24: {  	s3 =	sadd.s32 $0x88, s3;
	s6 =	simm.s32 @!p1 $0x1082;
	[sflag:s4] =	ssyncset.s32 $0xFFFFF086  }
0x25: {  	[simem:s6], [sflag:s4] =	dma.local [hbm:s3], $0xF7A  }
0x26: {  	[smem:$0x3F9B] =	sst s1;
	(tag) =	ssettag s2;
	_ =	strace s9  }
0x27: {  	s1 =	sld [smem:$0x3FAB]  }
0x28: {  	s2 =	sld [smem:$0x3FAC]  }
0x29: {  	s4 =	sld [smem:$0x3FAE]  }
0x2a: {  	p0 =	seq.s32 s5, $0x0;
	s5 =	sld [smem:$0x3FAF]  }
0x2b: {  	s6 =	sld [smem:$0x3FB0]  }
0x2c: {  	s7 =	sld [smem:$0x3FB1]  }
0x2d: {  	s3 =	simm.s32 $0x108;
	s8 =	sld [smem:$0x3FB2]  }
0x2e: {  	s3 =	simm.s32 @!p0 $0x1082;
	s9 =	sld [smem:$0x3FB3]  }
0x2f: {  	lr =	sadd.s32 s0, s3;
	s0 =	sld [smem:$0x3FAA]  }
0x30: {  	s3 =	sld [smem:$0x3FAD]  }
0x31: {  	[smem:$0x3FB6] =	sst s10  }
0x32: {  	s10 =	sld [smem:$0x3FB4];
	_ =	sdelay $0x3  }
0x33: {  	p0 =	seq.s32 s10, $0x1;
	s10 =	sld [smem:$0x3FB6];
	_ =	sdelay $0x3  }
0x34: {  	[smem:$0x3FB6] =	sst s10  }
0x35: {  	s10 =	sld [smem:$0x3FB5];
	_ =	sdelay $0x3  }
0x36: {  	p1 =	seq.s32 s10, $0x1;
	s10 =	sld [smem:$0x3FB6];
	_ =	sdelay $0x3  }
0x37: {  	[smem:$0x3FB6] =	sst s10  }
0x38: {  	s10 =	sld [smem:$0x3FB7]  }
0x39: {  	_ = 	snop;
	(pc) =	sbr.ind lr, $3  }
0x3a: {  	_ = 	snop  }
0x3b: {  	_ = 	snop  }
0x3c: {  	p2 =	seq.s32 s10, $0x1;
	s10 =	sld [smem:$0x3FB6]  }
0x3d: {  	_ =	shalt  }
0x3e: {  	_ =	shalt  }
0x3f: {  	_ =	shalt  }
0x40: {  	_ =	shalt  }
0x41: {  	_ =	shalt  }
0x42: {  	_ =	shalt  }
0x43: {  	_ =	shalt  }
0x44: {  	_ =	shalt  }
0x45: {  	_ =	shalt  }
0x46: {  	_ =	shalt  }
0x47: {  	_ =	shalt  }
0x48: {  	_ =	shalt  }
0x49: {  	_ =	shalt  }
0x4a: {  	_ =	shalt  }
0x4b: {  	_ =	shalt  }
0x4c: {  	_ =	shalt  }
0x4d: {  	_ =	shalt  }
0x4e: {  	_ =	shalt  }
0x4f: {  	_ =	shalt  }
0x50: {  	_ =	shalt  }
0x51: {  	_ =	shalt  }
0x52: {  	_ =	shalt  }
0x53: {  	_ =	shalt  }
0x54: {  	_ =	shalt  }
0x55: {  	_ =	shalt  }
0x56: {  	_ =	shalt  }
0x57: {  	_ =	shalt  }
0x58: {  	_ =	shalt  }
0x59: {  	_ =	shalt  }
0x5a: {  	_ =	shalt  }
0x5b: {  	_ =	shalt  }
0x5c: {  	_ =	shalt  }
0x5d: {  	_ =	shalt  }
0x5e: {  	_ =	shalt  }
0x5f: {  	_ =	shalt  }
0x60: {  	_ =	shalt  }
0x61: {  	_ =	shalt  }
0x62: {  	_ =	shalt  }
0x63: {  	_ =	shalt  }
0x64: {  	_ =	shalt  }
0x65: {  	_ =	shalt  }
0x66: {  	_ =	shalt  }
0x67: {  	_ =	shalt  }
0x68: {  	_ =	shalt  }
0x69: {  	_ =	shalt  }
0x6a: {  	_ =	shalt  }
0x6b: {  	_ =	shalt  }
0x6c: {  	_ =	shalt  }
0x6d: {  	_ =	shalt  }
0x6e: {  	_ =	shalt  }
0x6f: {  	_ =	shalt  }
0x70: {  	_ =	shalt  }
0x71: {  	_ =	shalt  }
0x72: {  	_ =	shalt  }
0x73: {  	_ =	shalt  }
0x74: {  	_ =	shalt  }
0x75: {  	_ =	shalt  }
0x76: {  	_ =	shalt  }
0x77: {  	_ =	shalt  }
0x78: {  	_ =	shalt  }
0x79: {  	_ =	shalt  }
0x7a: {  	_ =	shalt  }
0x7b: {  	_ =	shalt  }
0x7c: {  	_ =	shalt  }
0x7d: {  	_ =	shalt  }
0x7e: {  	_ =	shalt  }
0x7f: {  	_ =	shalt  }
0x80: {  	_ =	shalt  }
0x81: {  	_ =	shalt  }
0x82: {  	_ =	shalt  }
0x83: {  	_ =	shalt  }
0x84: {  	_ =	shalt  }
0x85: {  	_ =	shalt  }
0x86: {  	_ =	shalt  }
0x87: {  	_ =	shalt  }
.Lfunc_end0:
.L_simem_size_0:
called_computation.2_lowered:
.L_overlay_start_0:
0x88: {  	s2 =	sld [smem:$0x3FD9]  }
0x89: {  	s3 =	sld [smem:$0x3FFE];
	_ =	sdelay $0x1  }
0x8a: {  	s1 =	srdreg.scid  }
0x8b: {  	s0 =	sand.u32 $0x1, s1  }
0x8c: {  	s17 =	sshll.u32 s0, $0xA;
	s2 =	sadd.s32 s3, s2  }
0x8d: {  	s2 =	sadd.s32 s2, s17  }
0x8e: {  	[smem:$0x3FC2] =	sst s2  }
0x8f: {  	_ = 	snop  }
0x90: {  	s2 =	sld [smem:$0x3FD0];
	(tm) =	ssettm $0x1  }
0x91: {  	s18 =	sld [smem:$0x3FFB];
	_ =	sdelay $0x3  }
0x92: {  	_ =	strace s18  }
0x93: {  	s3 =	sld [smem:$0x3FFC];
	_ =	sdelay $0x3  }
0x94: {  	_ =	strace s3  }
0x95: {  	s3 =	sld [smem:$0x3FFD];
	_ =	sdelay $0x3  }
0x96: {  	_ =	strace s3  }
0x97: {  	_ =	strace $0x8FFFFFFF  }
0x98: {  	s19 =	sld [smem:$0x3FDB];
	_ =	sdelay $0x1  }
0x99: {  	s4 =	simm.s32 $_scs_section_size  }
0x9a: {  	s5 =	simm.s32 $_size__tile_overlayer_lowered;
	s6 =	simm.s32 $_tile_overlayer_lowered  }
0x9b: {  	s22 =	simm.s32 $0x1BFF;
	s21 =	sshll.u32 s6, $0x1;
	s3 =	sadd.s32 s4, s19  }
0x9c: {  	s7 =	simm.s32 $0x0;
	s20 =	sshll.u32 s5, $0x1;
	s5 =	sadd.s32 s21, s3  }
0x9d: {  	[timem:s7], [sflag:s22] =	dma.local [hbm:s5], s20  }
0x9e: {  	_ =	swait.ge [sflag:s22], s20  }
0x9f: {  	s4 =	ssub.s32 $0x0, s20;
	[sflag:s22] =	ssyncset.done $0x0  }
0xa0: {  	[sflag:s22] =	ssyncadd.s32 s4;
	_ =	sdelay $0x1  }
0xa1: {  	s23 =	simm.s32 $0x1B8B  }
0xa2: {  	_ =	swait.ge [sflag:s23], $0x1  }
0xa3: {  	[sflag:s23] =	ssyncset.done $0x0  }
0xa4: {  	s25 =	simm.s32 $0x1B8E;
	s24 =	sld [smem:$0x3FFE];
	[sflag:s23] =	ssyncadd.s32 $0xFFFFFFFF  }
0xa5: {  	s26 =	simm.s32 $execute0_lowered;
	[smem:$0x3FD2] =	sst s25  }
0xa6: {  	s5 =	sshll.u32 s26, $0x1;
	_ =	strace $0x8000004C;
	[dreg:$0x1] =	wrdreg $0xFFFFFFFF  }
0xa7: {  	s28 =	simm.s32 $_size_execute0_lowered;
	s3 =	sadd.s32 s3, s5;
	[dreg:$0x0] =	wrdreg $0x0  }
0xa8: {  	s5 =	sshll.u32 s28, $0x1;
	[dreg:$0x2] =	wrdreg s3  }
0xa9: {  	[dreg:$0x3] =	wrdreg s5  }
0xaa: {  	[dreg:$0x4] =	wrdreg $0xC0  }
0xab: {  	_ =	task [dreg:s7], $0x5FFFF  }
0xac: {  	[dreg:$0x1] =	wrdreg $0xFFFFFFFF  }
0xad: {  	[dreg:$0x0] =	wrdreg $0x60  }
0xae: {  	[dreg:$0x2] =	wrdreg s24  }
0xaf: {  	[dreg:$0x3] =	wrdreg s2  }
0xb0: {  	[dreg:$0x4] =	wrdreg $0x144400  }
0xb1: {  	[dreg:$0x5] =	wrdreg $0xA8000  }
0xb2: {  	[dreg:$0x6] =	wrdreg $0x9  }
0xb3: {  	_ =	task.clear_ibuf [dreg:s7], $0x7FFFF;
	_ =	strace $0x9000004C  }
0xb4: {  	s29 =	simm.s32 $0x9;
	_ =	strace $0x8000004E  }
0xb5: {  	_ =	swait.ge [sflag:s29], $0x1  }
0xb6: {  	[sflag:s29] =	ssyncadd.s32 $0xFFFFFFFF  }
0xb7: {  	_ =	strace $0x9000004E  }
0xb8: {  	_ =	sfence  }
0xb9: {  	s30 =	sld [smem:$0x0];
	_ =	sdelay $0x2  }
0xba: {  	s31 =	sshll.u32 s1, $0xD;
	s1 =	sshrl.u32 s1, $0x2  }
0xbb: {  	s3 =	sand.u32 $0x4000, s31;
	s1 =	sadd.s32 s1, s30  }
0xbc: {  	s0 =	sor.u32 s3, s0;
	s1 =	sshll.u32 s1, $0x11  }
0xbd: {  	s0 =	sor.u32 s1, s0  }
0xbe: {  	s0 =	sadd.s32 $0x8F2B, s0  }
0xbf: {  	[sflag:s0] =	ssyncadd.remote.s32 $0x1  }
0xc0: {  	_ =	sfence.sel $0xFFFF  }
0xc1: {  	[dreg:$0x0] =	wrdreg $0xFFFFFFFF;
	(pc) =	sbr.abs _section_cstart, $3  }
0xc2: {  	[dreg:$0x1] =	wrdreg $0xFFFFFFFF  }
0xc3: {  	_ =	task.clear_ibuf [dreg:s7], $0x2FFFF;
	_ =	strace $0x9FFFFFFF  }
0xc4: {  	(tm) =	ssettm $0x7FFFFFFF  }
0xc5: {  	_ =	shalt  }
tec
execute0_lowered:
.L_overlay_start_1:
0x0: {  	(tag) =	ssettag $0x1  }
0x1: {  	s0 =	rddreg [dreg:$0x0]  }
0x2: {  	s1 =	rddreg [dreg:$0x1]  }
0x3: {  	s2 =	rddreg [dreg:$0x2]  }
0x4: {  	s3 =	rddreg [dreg:$0x3];
	s14 =	stileid.u32  }
0x5: {  	s5 =	srdreg.scid;
	s4 =	simm.s32 $0x0;
	s17 =	simm.s32 $0x1  }
0x6: {  	s18 =	simm.s32 $0x2;
	s19 =	simm.s32 $0x3;
	s20 =	simm.s32 $0x4  }
0x7: {  	s21 =	simm.s32 $0x80;
	s22 =	simm.s32 $0x2800;
	s23 =	simm.s32 $0x4800  }
0x8: {  	s28 =	simm.s32 $0x8800;
	s29 =	simm.s32 $0x5;
	s10 =	smul.u32 $0x9C40, s14  }
0x9: {  	s31 =	simm.s32 $0x2680;
	s5 =	sand.u32 $0x1, s5;
	s7 =	smul.u32 $0x9D00, s14  }
0xa: {  	[smem:$0x7FF] =	sst s4;
	s6 =	sshll.u32 s14, $0x1;
	s8 =	smul.u32 $0x9D000, s5  }
0xb: {  	_ =	strace $0x8000004D;
	s6 =	sor.u32 s5, s6;
	s5 =	ssub.s32 $0x2, s5  }
0xc: {  	s9 =	sshrl.u32 s10, $0x3;
	s6 =	smul.u32 $0x280, s6;
	s25 =	sshrl.u32 s5, $0x1  }
0xd: {  	s13 =	sadd.s32 s7, s2;
	s26 =	sshrl.u32 s7, $0x3;
	s30 =	sadd.s32 s10, s3  }
0xe: {  	s8 =	sadd.s32 s7, s8;
	s11 =	sadd.s32 s9, s0;
	s12 =	ssub.s32 s5, s25  }
0xf: {  	s7 =	sshll.u32 s14, $0x6;
	s14 =	sshrl.u32 s13, $0x3;
	s16 =	sshrl.u32 s30, $0x3  }
0x10: {  	s25 =	simm.s32 $0x6800;
	s13 =	simm.s32 $0x0;
	s8 =	sshrl.u32 s8, $0x3  }
0x11: {  	s6 =	sadd.s32 s6, s0;
	s9 =	sor.u32 $0x1C03, s7;
	s10 =	sadd.s32 $0x5CC00, s11  }
0x12: {  	s12 =	smax.u32 s12, $0x1;
	s15 =	sor.u32 $0x1C04, s7;
	s0 =	sadd.s32 s8, s0  }
0x13: {  	s5 =	sadd.s32 $0x9400, s6;
	s6 =	sadd.s32 $0x1A00, s6;
	s8 =	sadd.s32 s1, s26  }
0x14: {  	s1 =	simm.s32 $0x2780;
	s11 =	sadd.s32 $0x70600, s0;
	s0 =	simm.s32 $0x2700  }
.LBB2_1:
0x15: {  	[tilespmem:s4], [sflag:$0x1] =	stream.linear.gather [hbm4b:s5+s4], $0x1400, $0x38;
	[tilespmem:$0x1E140] =	vst v63  }
0x16: {  	s24 =	simm.s32 $0x1400  }
0x17: {  	[tilespmem:s24], [sflag:$0x2] =	stream.linear.gather [hbm4b:s6+s4], $0x1400, $0x38;
	[tilespmem:$0x1E140] =	vst v63  }
0x18: {  	[spmem:s14], [sflag:s9] =	dma.local [hbm:s8], $0x13A0  }
0x19: {  	[spmem:s16], [sflag:s15] =	dma.local [hbm:s10], $0x1388  }
0x1a: {  	_ =	swait.ge [sflag:s17], $0x1400  }
0x1b: {  	[sflag:s17] =	ssyncset.done $0x0  }
0x1c: {  	[sflag:s17] =	ssyncadd.s32 $0xFFFFEC00  }
0x1d: {  	_ =	swait.ge [sflag:s18], $0x1400  }
0x1e: {  	[sflag:s18] =	ssyncset.done $0x0  }
0x1f: {  	[sflag:s18] =	ssyncadd.s32 $0xFFFFEC00  }
0x20: {  	_ =	swait.ge [sflag:s19], $0x13A0  }
0x21: {  	[sflag:s19] =	ssyncset.done $0x0  }
0x22: {  	[sflag:s19] =	ssyncadd.s32 $0xFFFFEC60  }
0x23: {  	_ =	swait.ge [sflag:s20], $0x1388  }
0x24: {  	[sflag:s20] =	ssyncset.done $0x0  }
0x25: {  	[sflag:s20] =	ssyncadd.s32 $0xFFFFEC78  }
0x26: {  	[bflag:$0x0] =	sbarrier.arrive $0xFFFF  }
0x27: {  	[tilespmem:s22], [sflag:$0x1] =	stream.indirect.gather [spmem:s3], $0x40, s4, s21, $0xb8;
	[tilespmem:$0x1E140] =	vst v63  }
0x28: {  	_ = 	snop  }
0x29: {  	[tilespmem:s23], [sflag:$0x2] =	stream.indirect.gather [spmem:s3], $0x40, s21, s21, $0xb8;
	[tilespmem:$0x1E140] =	vst v63  }
0x2a: {  	s30 =	simm.s32 $0x100  }
0x2b: {  	[tilespmem:s25], [sflag:$0x3] =	stream.indirect.gather [spmem:s3], $0x40, s30, s21, $0xb8;
	[tilespmem:$0x1E140] =	vst v63  }
0x2c: {  	s26 =	simm.s32 $0x180  }
0x2d: {  	[tilespmem:s28], [sflag:$0x4] =	stream.indirect.gather [spmem:s3], $0x40, s26, s21, $0xb8;
	[tilespmem:$0x1E140] =	vst v63  }
0x2e: {  	_ =	swait.ge [sflag:s17], $0x2000  }
0x2f: {  	[sflag:s17] =	ssyncset.done $0x0  }
0x30: {  	s30 =	simm.s32 $0x1400;
	[sflag:s17] =	ssyncadd.s32 $0xFFFFE000  }
0x31: {  	[spmem:s2] =	stream.indirect.scatter.add.f32 [tilespmem:s22], [sflag:$0x5], $0x40, s30, s21, $0xb8;
	[tilespmem:$0x1E140] =	vst v63  }
0x32: {  	_ =	swait.ge [sflag:s29], $0x2000  }
0x33: {  	[sflag:s29] =	ssyncset.done $0x0  }
0x34: {  	s26 =	simm.s32 $0x200;
	[sflag:s29] =	ssyncadd.s32 $0xFFFFE000  }
0x35: {  	[tilespmem:s22], [sflag:$0x1] =	stream.indirect.gather [spmem:s3], $0x40, s26, s21, $0xb8;
	[tilespmem:$0x1E140] =	vst v63  }
0x36: {  	_ =	swait.ge [sflag:s18], $0x2000  }
0x37: {  	[sflag:s18] =	ssyncset.done $0x0  }
0x38: {  	s30 =	simm.s32 $0x1480;
	[sflag:s18] =	ssyncadd.s32 $0xFFFFE000  }
0x39: {  	[spmem:s2] =	stream.indirect.scatter.add.f32 [tilespmem:s23], [sflag:$0x5], $0x40, s30, s21, $0xb8;
	[tilespmem:$0x1E140] =	vst v63  }
0x3a: {  	_ =	swait.ge [sflag:s29], $0x2000  }
0x3b: {  	[sflag:s29] =	ssyncset.done $0x0  }
0x3c: {  	s26 =	simm.s32 $0x280;
	[sflag:s29] =	ssyncadd.s32 $0xFFFFE000  }
0x3d: {  	[tilespmem:s23], [sflag:$0x2] =	stream.indirect.gather [spmem:s3], $0x40, s26, s21, $0xb8;
	[tilespmem:$0x1E140] =	vst v63  }
0x3e: {  	_ =	swait.ge [sflag:s19], $0x2000  }
0x3f: {  	[sflag:s19] =	ssyncset.done $0x0  }
0x40: {  	s30 =	simm.s32 $0x1500;
	[sflag:s19] =	ssyncadd.s32 $0xFFFFE000  }
0x41: {  	[spmem:s2] =	stream.indirect.scatter.add.f32 [tilespmem:s25], [sflag:$0x5], $0x40, s30, s21, $0xb8;
	[tilespmem:$0x1E140] =	vst v63  }
0x42: {  	_ =	swait.ge [sflag:s29], $0x2000  }
0x43: {  	[sflag:s29] =	ssyncset.done $0x0  }
0x44: {  	s26 =	simm.s32 $0x300;
	[sflag:s29] =	ssyncadd.s32 $0xFFFFE000  }
0x45: {  	[tilespmem:s25], [sflag:$0x3] =	stream.indirect.gather [spmem:s3], $0x40, s26, s21, $0xb8;
	[tilespmem:$0x1E140] =	vst v63  }
0x46: {  	_ =	swait.ge [sflag:s20], $0x2000  }
0x47: {  	[sflag:s20] =	ssyncset.done $0x0  }
0x48: {  	s30 =	simm.s32 $0x1580;
	[sflag:s20] =	ssyncadd.s32 $0xFFFFE000  }
0x49: {  	[spmem:s2] =	stream.indirect.scatter.add.f32 [tilespmem:s28], [sflag:$0x5], $0x40, s30, s21, $0xb8;
	[tilespmem:$0x1E140] =	vst v63  }
0x4a: {  	_ =	swait.ge [sflag:s29], $0x2000  }
0x4b: {  	[sflag:s29] =	ssyncset.done $0x0  }
0x4c: {  	s24 =	simm.s32 $0x800;
	s26 =	simm.s32 $0x380;
	[sflag:s29] =	ssyncadd.s32 $0xFFFFE000  }
.LBB2_2:
0x4d: {  	[tilespmem:s28], [sflag:$0x4] =	stream.indirect.gather [spmem:s3], $0x40, s26, s21, $0xb8;
	[tilespmem:$0x1E140] =	vst v63  }
0x4e: {  	s26 =	smov.u32 s24  }
0x4f: {  	p0 =	sne.s32 s24, $0x4000;
	s24 =	sadd.s32 $0x800, s24;
	_ =	swait.ge [sflag:s17], $0x2000  }
0x50: {  	s26 =	sshra.s32 s26, $0x2;
	[sflag:s17] =	ssyncset.done $0x0  }
0x51: {  	s30 =	sadd.s32 $0x1400, s26;
	[sflag:s17] =	ssyncadd.s32 $0xFFFFE000  }
0x52: {  	[spmem:s2] =	stream.indirect.scatter.add.f32 [tilespmem:s22], [sflag:$0x5], $0x40, s30, s21, $0xb8;
	[tilespmem:$0x1E140] =	vst v63  }
0x53: {  	_ =	swait.ge [sflag:s29], $0x2000  }
0x54: {  	[sflag:s29] =	ssyncset.done $0x0  }
0x55: {  	s30 =	sadd.s32 $0x200, s26;
	[sflag:s29] =	ssyncadd.s32 $0xFFFFE000  }
0x56: {  	[tilespmem:s22], [sflag:$0x1] =	stream.indirect.gather [spmem:s3], $0x40, s30, s21, $0xb8;
	[tilespmem:$0x1E140] =	vst v63  }
0x57: {  	_ =	swait.ge [sflag:s18], $0x2000  }
0x58: {  	[sflag:s18] =	ssyncset.done $0x0  }
0x59: {  	s30 =	sadd.s32 $0x1480, s26;
	[sflag:s18] =	ssyncadd.s32 $0xFFFFE000  }
0x5a: {  	[spmem:s2] =	stream.indirect.scatter.add.f32 [tilespmem:s23], [sflag:$0x5], $0x40, s30, s21, $0xb8;
	[tilespmem:$0x1E140] =	vst v63  }
0x5b: {  	_ =	swait.ge [sflag:s29], $0x2000  }
0x5c: {  	[sflag:s29] =	ssyncset.done $0x0  }
0x5d: {  	s30 =	sadd.s32 $0x280, s26;
	[sflag:s29] =	ssyncadd.s32 $0xFFFFE000  }
0x5e: {  	[tilespmem:s23], [sflag:$0x2] =	stream.indirect.gather [spmem:s3], $0x40, s30, s21, $0xb8;
	[tilespmem:$0x1E140] =	vst v63  }
0x5f: {  	_ =	swait.ge [sflag:s19], $0x2000  }
0x60: {  	[sflag:s19] =	ssyncset.done $0x0  }
0x61: {  	s30 =	sadd.s32 $0x1500, s26;
	[sflag:s19] =	ssyncadd.s32 $0xFFFFE000  }
0x62: {  	[spmem:s2] =	stream.indirect.scatter.add.f32 [tilespmem:s25], [sflag:$0x5], $0x40, s30, s21, $0xb8;
	[tilespmem:$0x1E140] =	vst v63  }
0x63: {  	_ =	swait.ge [sflag:s29], $0x2000  }
0x64: {  	[sflag:s29] =	ssyncset.done $0x0  }
0x65: {  	s30 =	sadd.s32 $0x300, s26;
	[sflag:s29] =	ssyncadd.s32 $0xFFFFE000  }
0x66: {  	[tilespmem:s25], [sflag:$0x3] =	stream.indirect.gather [spmem:s3], $0x40, s30, s21, $0xb8;
	[tilespmem:$0x1E140] =	vst v63  }
0x67: {  	_ =	swait.ge [sflag:s20], $0x2000  }
0x68: {  	[sflag:s20] =	ssyncset.done $0x0  }
.Ltmp0:
0x69: {  	s30 =	sadd.s32 $0x1580, s26;
	[sflag:s20] =	ssyncadd.s32 $0xFFFFE000;
	(pc) =	sbr.rel @p0 .LBB2_2-.Ltmp0, $4  }
0x6a: {  	[spmem:s2] =	stream.indirect.scatter.add.f32 [tilespmem:s28], [sflag:$0x5], $0x40, s30, s21, $0xb8;
	[tilespmem:$0x1E140] =	vst v63  }
0x6b: {  	_ =	swait.ge [sflag:s29], $0x2000  }
0x6c: {  	[sflag:s29] =	ssyncset.done $0x0  }
0x6d: {  	s26 =	sadd.s32 $0x380, s26;
	[sflag:s29] =	ssyncadd.s32 $0xFFFFE000  }
0x6e: {  	[tilespmem:s28], [sflag:$0x4] =	stream.indirect.gather [spmem:s3], $0x40, s26, s21, $0xb8;
	[tilespmem:$0x1E140] =	vst v63  }
0x6f: {  	_ =	swait.ge [sflag:s17], $0x2000  }
0x70: {  	[sflag:s17] =	ssyncset.done $0x0  }
0x71: {  	s24 =	simm.s32 $0x2600;
	[sflag:s17] =	ssyncadd.s32 $0xFFFFE000  }
0x72: {  	[spmem:s2] =	stream.indirect.scatter.add.f32 [tilespmem:s22], [sflag:$0x5], $0x40, s24, s21, $0xb8;
	[tilespmem:$0x1E140] =	vst v63  }
0x73: {  	_ =	swait.ge [sflag:s29], $0x2000  }
0x74: {  	[sflag:s29] =	ssyncset.done $0x0  }
0x75: {  	[sflag:s29] =	ssyncadd.s32 $0xFFFFE000  }
0x76: {  	_ =	swait.ge [sflag:s18], $0x2000  }
0x77: {  	[sflag:s18] =	ssyncset.done $0x0  }
0x78: {  	[sflag:s18] =	ssyncadd.s32 $0xFFFFE000  }
0x79: {  	[spmem:s2] =	stream.indirect.scatter.add.f32 [tilespmem:s23], [sflag:$0x5], $0x40, s31, s21, $0xb8;
	[tilespmem:$0x1E140] =	vst v63  }
0x7a: {  	_ =	swait.ge [sflag:s29], $0x2000  }
0x7b: {  	[sflag:s29] =	ssyncset.done $0x0  }
0x7c: {  	[sflag:s29] =	ssyncadd.s32 $0xFFFFE000  }
0x7d: {  	_ =	swait.ge [sflag:s19], $0x2000  }
0x7e: {  	[sflag:s19] =	ssyncset.done $0x0  }
0x7f: {  	[sflag:s19] =	ssyncadd.s32 $0xFFFFE000  }
0x80: {  	[spmem:s2] =	stream.indirect.scatter.add.f32 [tilespmem:s25], [sflag:$0x5], $0x40, s0, s21, $0xb8;
	[tilespmem:$0x1E140] =	vst v63  }
0x81: {  	_ =	swait.ge [sflag:s29], $0x2000  }
0x82: {  	[sflag:s29] =	ssyncset.done $0x0  }
0x83: {  	[sflag:s29] =	ssyncadd.s32 $0xFFFFE000  }
0x84: {  	_ =	swait.ge [sflag:s20], $0x2000  }
0x85: {  	[sflag:s20] =	ssyncset.done $0x0  }
0x86: {  	[sflag:s20] =	ssyncadd.s32 $0xFFFFE000  }
0x87: {  	[spmem:s2] =	stream.indirect.scatter.add.f32 [tilespmem:s28], [sflag:$0x5], $0x40, s1, s21, $0xb8;
	[tilespmem:$0x1E140] =	vst v63  }
0x88: {  	_ =	swait.ge [sflag:s29], $0x2000  }
0x89: {  	s13 =	sadd.s32 $0x1, s13;
	[sflag:s29] =	ssyncset.done $0x0  }
0x8a: {  	p0 =	sne.s32 s13, s12;
	[sflag:s29] =	ssyncadd.s32 $0xFFFFE000  }
.Ltmp1:
0x8b: {  	s30 =	sor.u32 $0x1C05, s7;
	[bflag:$0x0] =	sbarrier.arrive $0xFFFF;
	(pc) =	sbr.rel @p0 .LBB2_1-.Ltmp1, $4  }
0x8c: {  	[hbm:s11], [sflag:s30] =	dma.local [spmem:s14], $0x13A0  }
0x8d: {  	_ =	swait.ge [sflag:s29], $0x13A0  }
0x8e: {  	[sflag:s29] =	ssyncset.done $0x0  }
0x8f: {  	[sflag:s29] =	ssyncadd.s32 $0xFFFFEC60  }
0x90: {  	_ =	sfence.sel $0x180000  }
0x91: {  	[bflag:$0x0] =	sbarrier.arrive $0xFFFF  }
0x92: {  	_ =	strace $0x9000004D  }
0x93: {  	s0 =	stileid.u32;
	[bflag:$0x2] =	sbarrier.arrive $0xFFFF  }
0x94: {  	p0 =	sne.s32 s0, $0x0;
	s0 =	rddreg [dreg:$0x4]  }
0x95: {  	s0 =	sadd.s32 @!p0 $0x100000, s0  }
0x96: {  	[sflag:s0] =	ssyncadd.tile.s32 @!p0 $0x1;
	_ =	shalt  }
.Lfunc_end2:
_tile_overlayer_lowered:
.L_overlay_start_2:
0x97: {  	(tag) =	ssettag $0x2  }
0x98: {  	s0 =	rddreg [dreg:$0x0];
	s2 =	stileid.u32  }
0x99: {  	s1 =	rddreg [dreg:$0x1];
	p0 =	sne.s32 s2, $0x0  }
0x9a: {  	s3 =	rddreg [dreg:$0x2];
	[bflag:$0x3] =	sbarrier.arrive $0xFFFF;
	s2 =	simm.s32 @!p0 $0x1C05  }
0x9b: {  	[timem:s3], [sflag:s2] =	dma.local @!p0 [hbm:s0], s1  }
0x9c: {  	s0 =	simm.s32 @!p0 $0x5  }
0x9d: {  	_ =	swait.ge @!p0 [sflag:s0], s1  }
0x9e: {  	s1 =	ssub.s32 @!p0 $0x0, s1;
	[sflag:s0] =	ssyncset.done @!p0 $0x0  }
0x9f: {  	[sflag:s0] =	ssyncadd.s32 @!p0 s1  }
0xa0: {  	[bflag:$0x3] =	sbarrier.arrive $0xFFFF  }
0xa1: {  	_ =	shalt  }

// kernel: kernel.8.cloned.1.call-start
scs
__scs_entry_jumppad:
0x0: {  	(pc) =	sbr.rel $0x88, $3  }
0x1: {  	(tag) =	ssettag $0x0;
	lr =	simm.s32 $0x1  }
0x2: {  	[smem:$0x3F9B] =	sst lr;
	_ =	strace $0xD0000000  }
0x3: {  	_ = 	snop  }
0x4: {  	_ = 	snop  }
0x5: {  	_ = 	snop  }
0x6: {  	_ = 	snop  }
0x7: {  	_ = 	snop  }
__scs_overlays_trampoline_lowered:
0x8: {  	[smem:$0x3FAA] =	sst s0  }
0x9: {  	[smem:$0x3FAB] =	sst s1  }
0xa: {  	[smem:$0x3FAC] =	sst s2  }
0xb: {  	[smem:$0x3FAD] =	sst s3  }
0xc: {  	[smem:$0x3FAE] =	sst s4  }
0xd: {  	[smem:$0x3FAF] =	sst s5  }
0xe: {  	[smem:$0x3FB0] =	sst s6  }
0xf: {  	[smem:$0x3FB1] =	sst s7  }
0x10: {  	[smem:$0x3FB2] =	sst s8  }
0x11: {  	[smem:$0x3FB3] =	sst s9;
	s0 =	simm.s32 @!p0 $0x0  }
0x12: {  	s1 =	sld [smem:$0x3F99];
	s0 =	simm.s32 @p0 $0x1  }
0x13: {  	[smem:$0x3FB4] =	sst s0;
	s0 =	simm.s32 @!p1 $0x0  }
0x14: {  	s2 =	sld [smem:$0x3F98];
	s0 =	simm.s32 @p1 $0x1  }
0x15: {  	[smem:$0x3FB5] =	sst s0;
	s0 =	simm.s32 @!p2 $0x0  }
0x16: {  	s3 =	sld [smem:$0x3FDB];
	s0 =	simm.s32 @p2 $0x1  }
0x17: {  	s4 =	simm.s32 $0x1BF5;
	[smem:$0x3FB7] =	sst s0  }
0x18: {  	s0 =	sld [smem:$0x3F9A];
	_ =	swait.ge [sflag:s4], $0x0  }
0x19: {  	s7 =	sld [smem:$0x3F9B]  }
0x1a: {  	s8 =	sadd.s32 $0xFFFFE003, lr  }
0x1b: {  	s9 =	sadd.s32 $0xFFFFFEF7, lr;
	s5 =	simm.s32 $0xFFFFFFFF;
	p2 =	slt.u32 s8, $0xFFFFF086  }
0x1c: {  	p1 =	slt.u32 s9, $0xF7A;
	s5 =	simm.s32 @!p2 $0x0  }
0x1d: {  	s5 =	simm.s32 @p1 $0x1;
	p0 =	seq.s32 s7, s2  }
0x1e: {  	s7 =	smul.u32 @!p0 $0xF7A, s2;
	p2 =	seq.s32 @!p0 s5, $0x0  }
0x1f: {  	s9 =	smul.u32 $0xF7A, s1;
	s8 =	simm.s32 @!p0 $0x1BF5;
	p2 =	por !p2, p0  }
0x20: {  	[sflag:s8] =	ssyncset.s32 @!p0 $0xFFFFF086;
	s6 =	sadd.s32 @!p0 s3, s7;
	s7 =	simm.s32 @!p0 $0x108  }
0x21: {  	s3 =	sadd.s32 s3, s9;
	s6 =	sadd.s32 @!p0 $0x88, s6;
	s7 =	simm.s32 @p2 $0x1082  }
0x22: {  	[simem:s7], [sflag:s8] =	dma.local @!p0 [hbm:s6], $0xF7A  }
0x23: {  	s9 =	sor.u32 $0xD0000000, s2;
	s6 =	simm.s32 $0x108;
	_ =	swait.ge @!p0 [sflag:s8], $0x0  }
0x24: {  	s3 =	sadd.s32 $0x88, s3;
	s6 =	simm.s32 @!p1 $0x1082;
	[sflag:s4] =	ssyncset.s32 $0xFFFFF086  }
0x25: {  	[simem:s6], [sflag:s4] =	dma.local [hbm:s3], $0xF7A  }
0x26: {  	[smem:$0x3F9B] =	sst s1;
	(tag) =	ssettag s2;
	_ =	strace s9  }
0x27: {  	s1 =	sld [smem:$0x3FAB]  }
0x28: {  	s2 =	sld [smem:$0x3FAC]  }
0x29: {  	s4 =	sld [smem:$0x3FAE]  }
0x2a: {  	p0 =	seq.s32 s5, $0x0;
	s5 =	sld [smem:$0x3FAF]  }
0x2b: {  	s6 =	sld [smem:$0x3FB0]  }
0x2c: {  	s7 =	sld [smem:$0x3FB1]  }
0x2d: {  	s3 =	simm.s32 $0x108;
	s8 =	sld [smem:$0x3FB2]  }
0x2e: {  	s3 =	simm.s32 @!p0 $0x1082;
	s9 =	sld [smem:$0x3FB3]  }
0x2f: {  	lr =	sadd.s32 s0, s3;
	s0 =	sld [smem:$0x3FAA]  }
0x30: {  	s3 =	sld [smem:$0x3FAD]  }
0x31: {  	[smem:$0x3FB6] =	sst s10  }
0x32: {  	s10 =	sld [smem:$0x3FB4];
	_ =	sdelay $0x3  }
0x33: {  	p0 =	seq.s32 s10, $0x1;
	s10 =	sld [smem:$0x3FB6];
	_ =	sdelay $0x3  }
0x34: {  	[smem:$0x3FB6] =	sst s10  }
0x35: {  	s10 =	sld [smem:$0x3FB5];
	_ =	sdelay $0x3  }
0x36: {  	p1 =	seq.s32 s10, $0x1;
	s10 =	sld [smem:$0x3FB6];
	_ =	sdelay $0x3  }
0x37: {  	[smem:$0x3FB6] =	sst s10  }
0x38: {  	s10 =	sld [smem:$0x3FB7]  }
0x39: {  	_ = 	snop;
	(pc) =	sbr.ind lr, $3  }
0x3a: {  	_ = 	snop  }
0x3b: {  	_ = 	snop  }
0x3c: {  	p2 =	seq.s32 s10, $0x1;
	s10 =	sld [smem:$0x3FB6]  }
0x3d: {  	_ =	shalt  }
0x3e: {  	_ =	shalt  }
0x3f: {  	_ =	shalt  }
0x40: {  	_ =	shalt  }
0x41: {  	_ =	shalt  }
0x42: {  	_ =	shalt  }
0x43: {  	_ =	shalt  }
0x44: {  	_ =	shalt  }
0x45: {  	_ =	shalt  }
0x46: {  	_ =	shalt  }
0x47: {  	_ =	shalt  }
0x48: {  	_ =	shalt  }
0x49: {  	_ =	shalt  }
0x4a: {  	_ =	shalt  }
0x4b: {  	_ =	shalt  }
0x4c: {  	_ =	shalt  }
0x4d: {  	_ =	shalt  }
0x4e: {  	_ =	shalt  }
0x4f: {  	_ =	shalt  }
0x50: {  	_ =	shalt  }
0x51: {  	_ =	shalt  }
0x52: {  	_ =	shalt  }
0x53: {  	_ =	shalt  }
0x54: {  	_ =	shalt  }
0x55: {  	_ =	shalt  }
0x56: {  	_ =	shalt  }
0x57: {  	_ =	shalt  }
0x58: {  	_ =	shalt  }
0x59: {  	_ =	shalt  }
0x5a: {  	_ =	shalt  }
0x5b: {  	_ =	shalt  }
0x5c: {  	_ =	shalt  }
0x5d: {  	_ =	shalt  }
0x5e: {  	_ =	shalt  }
0x5f: {  	_ =	shalt  }
0x60: {  	_ =	shalt  }
0x61: {  	_ =	shalt  }
0x62: {  	_ =	shalt  }
0x63: {  	_ =	shalt  }
0x64: {  	_ =	shalt  }
0x65: {  	_ =	shalt  }
0x66: {  	_ =	shalt  }
0x67: {  	_ =	shalt  }
0x68: {  	_ =	shalt  }
0x69: {  	_ =	shalt  }
0x6a: {  	_ =	shalt  }
0x6b: {  	_ =	shalt  }
0x6c: {  	_ =	shalt  }
0x6d: {  	_ =	shalt  }
0x6e: {  	_ =	shalt  }
0x6f: {  	_ =	shalt  }
0x70: {  	_ =	shalt  }
0x71: {  	_ =	shalt  }
0x72: {  	_ =	shalt  }
0x73: {  	_ =	shalt  }
0x74: {  	_ =	shalt  }
0x75: {  	_ =	shalt  }
0x76: {  	_ =	shalt  }
0x77: {  	_ =	shalt  }
0x78: {  	_ =	shalt  }
0x79: {  	_ =	shalt  }
0x7a: {  	_ =	shalt  }
0x7b: {  	_ =	shalt  }
0x7c: {  	_ =	shalt  }
0x7d: {  	_ =	shalt  }
0x7e: {  	_ =	shalt  }
0x7f: {  	_ =	shalt  }
0x80: {  	_ =	shalt  }
0x81: {  	_ =	shalt  }
0x82: {  	_ =	shalt  }
0x83: {  	_ =	shalt  }
0x84: {  	_ =	shalt  }
0x85: {  	_ =	shalt  }
0x86: {  	_ =	shalt  }
0x87: {  	_ =	shalt  }
.Lfunc_end0:
.L_simem_size_0:
called_computation_lowered:
.L_overlay_start_0:
0x88: {  	s2 =	sld [smem:$0x3FD9]  }
0x89: {  	s3 =	sld [smem:$0x3FFE];
	_ =	sdelay $0x1  }
0x8a: {  	s1 =	srdreg.scid  }
0x8b: {  	s0 =	sand.u32 $0x1, s1  }
0x8c: {  	s17 =	sshll.u32 s0, $0xA;
	s2 =	sadd.s32 s3, s2  }
0x8d: {  	s2 =	sadd.s32 s2, s17  }
0x8e: {  	[smem:$0x3FC2] =	sst s2  }
0x8f: {  	_ = 	snop  }
0x90: {  	s2 =	sld [smem:$0x3FD0];
	(tm) =	ssettm $0x1  }
0x91: {  	s18 =	sld [smem:$0x3FFB];
	_ =	sdelay $0x3  }
0x92: {  	_ =	strace s18  }
0x93: {  	s3 =	sld [smem:$0x3FFC];
	_ =	sdelay $0x3  }
0x94: {  	_ =	strace s3  }
0x95: {  	s3 =	sld [smem:$0x3FFD];
	_ =	sdelay $0x3  }
0x96: {  	_ =	strace s3  }
0x97: {  	_ =	strace $0x8FFFFFFF  }
0x98: {  	s19 =	sld [smem:$0x3FDB];
	_ =	sdelay $0x1  }
0x99: {  	s4 =	simm.s32 $_scs_section_size  }
0x9a: {  	s5 =	simm.s32 $_size__tile_overlayer_lowered;
	s6 =	simm.s32 $_tile_overlayer_lowered  }
0x9b: {  	s22 =	simm.s32 $0x1BFF;
	s21 =	sshll.u32 s6, $0x1;
	s3 =	sadd.s32 s4, s19  }
0x9c: {  	s7 =	simm.s32 $0x0;
	s20 =	sshll.u32 s5, $0x1;
	s5 =	sadd.s32 s21, s3  }
0x9d: {  	[timem:s7], [sflag:s22] =	dma.local [hbm:s5], s20  }
0x9e: {  	_ =	swait.ge [sflag:s22], s20  }
0x9f: {  	s4 =	ssub.s32 $0x0, s20;
	[sflag:s22] =	ssyncset.done $0x0  }
0xa0: {  	[sflag:s22] =	ssyncadd.s32 s4;
	_ =	sdelay $0x1  }
0xa1: {  	s23 =	simm.s32 $0x1B8B  }
0xa2: {  	_ =	swait.ge [sflag:s23], $0x1  }
0xa3: {  	[sflag:s23] =	ssyncset.done $0x0  }
0xa4: {  	s25 =	simm.s32 $0x1B8E;
	s24 =	sld [smem:$0x3FFE];
	[sflag:s23] =	ssyncadd.s32 $0xFFFFFFFF  }
0xa5: {  	s26 =	simm.s32 $execute0_lowered;
	[smem:$0x3FD2] =	sst s25  }
0xa6: {  	s5 =	sshll.u32 s26, $0x1;
	_ =	strace $0x80000046;
	[dreg:$0x1] =	wrdreg $0xFFFFFFFF  }
0xa7: {  	s28 =	simm.s32 $_size_execute0_lowered;
	s3 =	sadd.s32 s3, s5;
	[dreg:$0x0] =	wrdreg $0x0  }
0xa8: {  	s5 =	sshll.u32 s28, $0x1;
	[dreg:$0x2] =	wrdreg s3  }
0xa9: {  	[dreg:$0x3] =	wrdreg s5  }
0xaa: {  	[dreg:$0x4] =	wrdreg $0xC0  }
0xab: {  	_ =	task [dreg:s7], $0x5FFFF  }
0xac: {  	[dreg:$0x1] =	wrdreg $0xFFFFFFFF  }
0xad: {  	[dreg:$0x0] =	wrdreg $0x60  }
0xae: {  	[dreg:$0x2] =	wrdreg s24  }
0xaf: {  	[dreg:$0x3] =	wrdreg s2  }
0xb0: {  	[dreg:$0x4] =	wrdreg $0x18000  }
0xb1: {  	[dreg:$0x5] =	wrdreg $0x9  }
0xb2: {  	_ =	task.clear_ibuf [dreg:s7], $0x6FFFF;
	_ =	strace $0x90000046  }
0xb3: {  	s29 =	simm.s32 $0x9;
	_ =	strace $0x80000048  }
0xb4: {  	_ =	swait.ge [sflag:s29], $0x1  }
0xb5: {  	[sflag:s29] =	ssyncadd.s32 $0xFFFFFFFF  }
0xb6: {  	_ =	strace $0x90000048  }
0xb7: {  	_ =	sfence  }
0xb8: {  	s30 =	sld [smem:$0x0];
	_ =	sdelay $0x2  }
0xb9: {  	s31 =	sshll.u32 s1, $0xD;
	s1 =	sshrl.u32 s1, $0x2  }
0xba: {  	s3 =	sand.u32 $0x4000, s31;
	s1 =	sadd.s32 s1, s30  }
0xbb: {  	s0 =	sor.u32 s3, s0;
	s1 =	sshll.u32 s1, $0x11  }
0xbc: {  	s0 =	sor.u32 s1, s0  }
0xbd: {  	s0 =	sadd.s32 $0x8F2B, s0  }
0xbe: {  	[sflag:s0] =	ssyncadd.remote.s32 $0x1  }
0xbf: {  	_ =	sfence.sel $0xFFFF  }
0xc0: {  	[dreg:$0x0] =	wrdreg $0xFFFFFFFF;
	(pc) =	sbr.abs _section_cstart, $3  }
0xc1: {  	[dreg:$0x1] =	wrdreg $0xFFFFFFFF  }
0xc2: {  	_ =	task.clear_ibuf [dreg:s7], $0x2FFFF;
	_ =	strace $0x9FFFFFFF  }
0xc3: {  	(tm) =	ssettm $0x7FFFFFFF  }
tec
execute0_lowered:
.L_overlay_start_1:
0x0: {  	(tag) =	ssettag $0x1  }
0x1: {  	s5 =	rddreg [dreg:$0x0]  }
0x2: {  	s1 =	srdreg.scid;
	s7 =	rddreg [dreg:$0x1]  }
0x3: {  	s0 =	stileid.u32;
	s2 =	rddreg [dreg:$0x2];
	s3 =	simm.s32 $0x0  }
0x4: {  	s13 =	simm.s32 $0x80;
	s4 =	sand.u32 $0x1, s1;
	s1 =	rddreg [dreg:$0x3]  }
0x5: {  	s14 =	simm.s32 $0x0;
	s28 =	sshll.u32 s0, $0x1;
	[smem:$0x7FF] =	sst s3  }
0x6: {  	s8 =	smul.u32 $0x13A0, s0;
	s31 =	sshll.u32 s0, $0x6;
	s6 =	sor.u32 s4, s28  }
0x7: {  	_ =	strace $0x80000047;
	s10 =	ssub.s32 $0x2, s4;
	s11 =	smul.u32 $0x13A00, s4  }
0x8: {  	s4 =	sadd.s32 $0x9200, s5;
	s6 =	smul.u32 $0x280, s6;
	s9 =	sshrl.u32 s8, $0x3  }
0x9: {  	s29 =	sshrl.u32 s10, $0x1;
	s12 =	sadd.s32 s8, s2;
	s9 =	sadd.s32 s9, s5  }
0xa: {  	s10 =	ssub.s32 s10, s29;
	s11 =	sadd.s32 s8, s11;
	s12 =	sshrl.u32 s12, $0x3  }
0xb: {  	s6 =	sadd.s32 s6, s5;
	s30 =	sshrl.u32 s11, $0x3;
	s8 =	smax.u32 s10, $0x1  }
0xc: {  	s10 =	simm.s32 $0x1400;
	s11 =	sor.u32 $0x1C01, s31;
	s5 =	sadd.s32 $0x1A00, s6  }
0xd: {  	s6 =	sadd.s32 $0x6A00, s9;
	s7 =	sadd.s32 s7, s30;
	s9 =	simm.s32 $0x1  }
.LBB2_1:
0xe: {  	[tilespmem:s3], [sflag:$0x1] =	stream.linear.gather [hbm4b:s5+s3], $0x1400, $0x38;
	[tilespmem:$0x2BA0] =	vst v63  }
0xf: {  	_ =	swait.ge [sflag:s9], $0x1400  }
0x10: {  	[sflag:s9] =	ssyncset.done $0x0  }
0x11: {  	[sflag:s9] =	ssyncadd.s32 $0xFFFFEC00  }
0x12: {  	[tilespmem:s10], [sflag:$0x1] =	stream.linear.gather [hbm4b:s4+s3], $0x400, $0x38;
	[tilespmem:$0x2BA0] =	vst v63  }
0x13: {  	_ =	swait.ge [sflag:s9], $0x400  }
0x14: {  	[sflag:s9] =	ssyncset.done $0x0  }
0x15: {  	[sflag:s9] =	ssyncadd.s32 $0xFFFFFC00  }
0x16: {  	[spmem:s12], [sflag:s11] =	dma.local [hbm:s6], $0x274  }
0x17: {  	_ =	swait.ge [sflag:s9], $0x274  }
0x18: {  	[sflag:s9] =	ssyncset.done $0x0  }
0x19: {  	[sflag:s9] =	ssyncadd.s32 $0xFFFFFD8C  }
0x1a: {  	s15 =	simm.s32 $0x0;
	[bflag:$0x0] =	sbarrier.arrive $0xFFFF  }
0x1b: {  	[spmem:s2] =	stream.indirect.scatter.add.f32 [tilespmem:s10], [sflag:$0x1], $0x8, s15, s13, $0xb8;
	[tilespmem:$0x2BA0] =	vst v63  }
0x1c: {  	_ =	swait.ge [sflag:s9], $0x400  }
0x1d: {  	s15 =	simm.s32 $0x200;
	[sflag:s9] =	ssyncset.done $0x0  }
.LBB2_2:
0x1e: {  	s16 =	sshra.s32 s15, $0x2;
	[sflag:s9] =	ssyncadd.s32 $0xFFFFFC00;
	p0 =	sne.s32 s15, $0x4E00  }
0x1f: {  	[spmem:s2] =	stream.indirect.scatter.add.f32 [tilespmem:s10], [sflag:$0x1], $0x8, s16, s13, $0xb8;
	[tilespmem:$0x2BA0] =	vst v63  }
.Ltmp0:
0x20: {  	_ = 	snop;
	(pc) =	sbr.rel @p0 .LBB2_2-.Ltmp0, $4  }
0x21: {  	_ = 	snop  }
0x22: {  	s15 =	sadd.s32 $0x200, s15  }
0x23: {  	_ =	swait.ge [sflag:s9], $0x400  }
0x24: {  	[sflag:s9] =	ssyncset.done $0x0  }
0x25: {  	s14 =	sadd.s32 $0x1, s14  }
0x26: {  	[sflag:s9] =	ssyncadd.s32 $0xFFFFFC00;
	p0 =	sne.s32 s14, s8  }
.Ltmp1:
0x27: {  	[bflag:$0x0] =	sbarrier.arrive $0xFFFF;
	(pc) =	sbr.rel @p0 .LBB2_1-.Ltmp1, $4  }
0x28: {  	[hbm:s7], [sflag:s11] =	dma.local [spmem:s12], $0x274  }
0x29: {  	_ =	swait.ge [sflag:s9], $0x274  }
0x2a: {  	[sflag:s9] =	ssyncset.done $0x0  }
0x2b: {  	[sflag:s9] =	ssyncadd.s32 $0xFFFFFD8C  }
0x2c: {  	_ =	sfence.sel $0x180000  }
0x2d: {  	[bflag:$0x0] =	sbarrier.arrive $0xFFFF  }
0x2e: {  	p0 =	sne.s32 s0, $0x0;
	_ =	strace $0x90000047  }
0x2f: {  	s0 =	sadd.s32 @!p0 $0x100000, s1;
	[bflag:$0x2] =	sbarrier.arrive $0xFFFF  }
0x30: {  	[sflag:s0] =	ssyncadd.tile.s32 @!p0 $0x1;
	_ =	shalt  }
.Lfunc_end2:
_tile_overlayer_lowered:
.L_overlay_start_2:
0x31: {  	(tag) =	ssettag $0x2  }
0x32: {  	s0 =	rddreg [dreg:$0x0];
	s2 =	stileid.u32  }
0x33: {  	s1 =	rddreg [dreg:$0x1];
	p0 =	sne.s32 s2, $0x0  }
0x34: {  	s3 =	rddreg [dreg:$0x2];
	[bflag:$0x3] =	sbarrier.arrive $0xFFFF;
	s2 =	simm.s32 @!p0 $0x1C01  }
0x35: {  	[timem:s3], [sflag:s2] =	dma.local @!p0 [hbm:s0], s1  }
0x36: {  	s0 =	simm.s32 @!p0 $0x1  }
0x37: {  	_ =	swait.ge @!p0 [sflag:s0], s1  }
0x38: {  	s1 =	ssub.s32 @!p0 $0x0, s1;
	[sflag:s0] =	ssyncset.done @!p0 $0x0  }
0x39: {  	[sflag:s0] =	ssyncadd.s32 @!p0 s1  }
0x3a: {  	[bflag:$0x3] =	sbarrier.arrive $0xFFFF  }
0x3b: {  	_ =	shalt  }

</sc_bundles>
